<compile_context>
chip_gen: v7x
topology: tpu7x:2x2x1
jax: 0.10.2.dev20260603
libtpu: 0.0.44.dev20260713+nightly
codegen_flags: <defaults>
</compile_context>

<pallas_src>
import functools

import jax
import jax.numpy as jnp
from jax import lax
from jax.experimental import pallas as pl
from jax.experimental.pallas import tpu as pltpu
from jax.experimental.pallas import tpu_sc as plsc

Nm, Nd, D = 4096, 4096, 128
P, L1, L2, NL = 8, 4, 8, 2
NS = 16384
ALPHA = 0.1

N2 = Nm + Nd
NW = 32
NPW = N2 // NW
GR = 128
NCHUNK = NPW // GR
VL = 16
NSPW = NS // NW



def _matmul_kernel(a_ref, b_ref, o_ref):
    o_ref[...] = jnp.dot(a_ref[...], b_ref[...],
                         preferred_element_type=jnp.float32)


def _matmul(a, b):
    m, k = a.shape
    _, n = b.shape
    bm = 256
    return pl.pallas_call(
        _matmul_kernel,
        grid=(m // bm,),
        in_specs=[
            pl.BlockSpec((bm, k), lambda i: (i, 0)),
            pl.BlockSpec((k, n), lambda i: (0, 0)),
        ],
        out_specs=pl.BlockSpec((bm, n), lambda i: (i, 0)),
        out_shape=jax.ShapeDtypeStruct((m, n), jnp.float32),
    )(a, b)


def _fc_kernel(r_ref, w_ref, h_ref, o_ref):
    f = jnp.dot(r_ref[...], w_ref[...], preferred_element_type=jnp.float32)
    o_ref[...] = ALPHA * h_ref[...] + jnp.maximum(f, 0.0)


def _fc(r, wt, h):
    bm = 1024
    return pl.pallas_call(
        _fc_kernel,
        grid=(N2 // bm,),
        in_specs=[
            pl.BlockSpec((bm, D), lambda i: (i, 0)),
            pl.BlockSpec((D, D), lambda i: (0, 0)),
            pl.BlockSpec((bm, D), lambda i: (i, 0)),
        ],
        out_specs=pl.BlockSpec((bm, D), lambda i: (i, 0)),
        out_shape=jax.ShapeDtypeStruct((N2, D), jnp.float32),
    )(r, wt, h)


def _prescale_kernel(f_ref, w_ref, o_ref):
    lsel = pl.program_id(0)
    o_ref[...] = f_ref[...] * w_ref[pl.ds(lsel, 1), :]


def _prescale(feats, pw_s):
    nl = pw_s.shape[0]
    bm = 1024
    nb = N2 // bm
    return pl.pallas_call(
        _prescale_kernel,
        grid=(nl, nb),
        in_specs=[
            pl.BlockSpec((bm, D), lambda l, i: (i, 0)),
            pl.BlockSpec((nl, D), lambda l, i: (0, 0)),
        ],
        out_specs=pl.BlockSpec((bm, D), lambda l, i: (l * nb + i, 0)),
        out_shape=jax.ShapeDtypeStruct((nl * N2, D), jnp.float32),
    )(feats, pw_s)


def _score_kernel(fa_ref, fb_ref, w_ref, b_ref, o_ref):
    dn = (((1,), (1,)), ((), ()))
    pa = lax.dot_general(w_ref[...], fa_ref[...], dn,
                         preferred_element_type=jnp.float32)
    pb = lax.dot_general(w_ref[...], fb_ref[...], dn,
                         preferred_element_type=jnp.float32)
    b = b_ref[0]
    o_ref[0:1, :] = pa[0:1, 0:Nm] + pb[1:2, 0:Nm] + b
    o_ref[1:2, :] = pa[2:3, Nm:N2] + pb[3:4, Nm:N2] + b


def _score(fa, fb, w4, bvec):
    return pl.pallas_call(
        _score_kernel,
        in_specs=[
            pl.BlockSpec((N2, D), lambda: (0, 0)),
            pl.BlockSpec((N2, D), lambda: (0, 0)),
            pl.BlockSpec((4, D), lambda: (0, 0)),
            pl.BlockSpec(memory_space=pltpu.SMEM),
        ],
        out_specs=pl.BlockSpec((2, Nm), lambda: (0, 0)),
        out_shape=jax.ShapeDtypeStruct((2, Nm), jnp.float32),
    )(fa, fb, w4, bvec)



@functools.lru_cache(maxsize=None)
def _make_gather_combine(nstream, nl):
    pl_per_chunk = nstream // NCHUNK
    shift = pl_per_chunk.bit_length() - 1
    mesh = plsc.VectorSubcoreMesh(core_axis_name="c", subcore_axis_name="s")

    @functools.partial(
        pl.kernel,
        out_type=jax.ShapeDtypeStruct((N2, D), jnp.float32),
        mesh=mesh,
        scratch_types=[
            pltpu.VMEM((nstream, GR), jnp.int32),
            pltpu.VMEM((GR, D), jnp.float32),
            pltpu.VMEM((GR, D), jnp.float32),
            pltpu.VMEM((NPW, D), jnp.float32),
            pltpu.SemaphoreType.DMA,
            pltpu.SemaphoreType.DMA,
        ],
    )
    def k(table, idx_hbm, out_hbm, idx_v, buf0, buf1, acc, sem0, sem1):
        wid = lax.axis_index("s") * 2 + lax.axis_index("c")
        base = wid * NPW
        pltpu.sync_copy(idx_hbm.at[wid], idx_v)

        zero = jnp.zeros((VL,), jnp.float32)

        @functools.partial(plsc.parallel_loop, 0, NPW, unroll=4)
        def _(r):
            row = acc.at[r]
            for kk in range(D // VL):
                row[pl.ds(kk * VL, VL)] = zero

        def fire(s, buf, sem):
            pltpu.make_async_copy(table.at[idx_v.at[s]], buf, sem).start()

        def drain(buf, sem):
            pltpu.make_async_copy(table.at[idx_v.at[0]], buf, sem).wait()

        def accum(s, buf):
            nb = lax.shift_right_logical(s, shift) * GR

            @functools.partial(plsc.parallel_loop, 0, GR, unroll=4)
            def _(r):
                dst = acc.at[nb + r]
                src = buf.at[r]
                for kk in range(D // VL):
                    plsc.addupdate(dst.at[pl.ds(kk * VL, VL)],
                                   src[pl.ds(kk * VL, VL)])

        fire(0, buf0, sem0)

        def pair(i, c):
            s = 2 * i
            fire(s + 1, buf1, sem1)
            drain(buf0, sem0)
            accum(s, buf0)

            @pl.when(s + 2 < nstream)
            def _():
                fire(s + 2, buf0, sem0)

            drain(buf1, sem1)
            accum(s + 1, buf1)
            return c

        lax.fori_loop(0, nstream // 2, pair, 0)
        pltpu.sync_copy(acc, out_hbm.at[pl.ds(base, NPW)])

    return k


@functools.lru_cache(maxsize=None)
def _make_sample_kernel():
    mesh = plsc.VectorSubcoreMesh(core_axis_name="c", subcore_axis_name="s")

    @functools.partial(
        pl.kernel,
        out_type=jax.ShapeDtypeStruct((NS,), jnp.float32),
        mesh=mesh,
        scratch_types=[
            pltpu.VMEM((NSPW,), jnp.int32),
            pltpu.VMEM((NSPW,), jnp.int32),
            pltpu.VMEM((NSPW,), jnp.float32),
            pltpu.VMEM((NSPW,), jnp.float32),
            pltpu.VMEM((NSPW,), jnp.float32),
            pltpu.SemaphoreType.DMA,
            pltpu.SemaphoreType.DMA,
        ],
    )
    def k(sm_hbm, sd_hbm, s_hbm, out_hbm, s0, s1, v0, v1, ov, sem0, sem1):
        wid = lax.axis_index("s") * 2 + lax.axis_index("c")
        base = wid * NSPW
        pltpu.sync_copy(s_hbm.at[0, pl.ds(base, NSPW)], s0)
        pltpu.sync_copy(s_hbm.at[1, pl.ds(base, NSPW)], s1)
        c0 = pltpu.async_copy(sm_hbm.at[s0], v0, sem0)
        c1 = pltpu.async_copy(sd_hbm.at[s1], v1, sem1)
        c0.wait()
        c1.wait()

        def body(i, c):
            x = v0[pl.ds(i * VL, VL)] + v1[pl.ds(i * VL, VL)]
            ov[pl.ds(i * VL, VL)] = 1.0 / (1.0 + jnp.exp(-x))
            return c

        lax.fori_loop(0, NSPW // VL, body, 0)
        pltpu.sync_copy(ov, out_hbm.at[pl.ds(base, NSPW)])

    return k



def _relayout_idx(idx):
    p, _, l = idx.shape
    x = idx.astype(jnp.int32) + (jnp.arange(l, dtype=jnp.int32) * N2)[None, None, :]
    x = x.transpose(1, 0, 2)
    x = x.reshape(NW, NCHUNK, GR, p * l)
    return x.transpose(0, 1, 3, 2).reshape(NW, NCHUNK * p * l, GR)


def kernel(paths_mm, paths_dd, paths_md, samples, miRNA, disease, Wm, Wd,
           pw1, pw2, fcW, mW0, mb0, mW1, mb1, mW2, mb2):
    idx_a = _relayout_idx(
        jnp.concatenate([paths_mm, paths_dd + Nm], axis=1))
    idx_b = _relayout_idx(paths_md)
    pw1_s = pw1 / float(P)
    pw2_s = pw2 / float(P)
    wt = [(1.0 - ALPHA) * fcW[l].T for l in range(NL)]

    w512 = (mW2 @ mW1 @ mW0).reshape(4, D)
    bias = (mW2 @ (mW1 @ mb0 + mb1) + mb2).reshape(1)
    s_t = samples.astype(jnp.int32).T

    hm = _matmul(miRNA, Wm)
    hd = _matmul(disease, Wd)
    hcat = jnp.concatenate([hm, hd], axis=0)

    gather_a = _make_gather_combine(NCHUNK * P * L1, L1)
    gather_b = _make_gather_combine(NCHUNK * P * L2, L2)

    feats_a = hcat
    for l in range(NL):
        r = gather_a(_prescale(feats_a, pw1_s[l]), idx_a)
        feats_a = _fc(r, wt[l], hcat)

    feats_b = hcat
    for l in range(NL):
        r = gather_b(_prescale(feats_b, pw2_s[l]), idx_b)
        feats_b = _fc(r, wt[l], hcat)

    score2 = _score(feats_a, feats_b, w512, bias)
    out = _make_sample_kernel()(score2[0], score2[1], s_t)
    return out.reshape(NS, 1)

# --- scband reference (transcript-rebuilt; emitter-appended) ---
"""Pipeline reference for scband-pgcn-81449759801399 (READ-ONLY COPY).

The authoritative reference and input builder live on the scoring server;
editing this copy changes nothing except your own understanding.
"""

import jax, jax.numpy as jnp
import numpy as np

Nm, Nd, D = 4096, 4096, 128
P, L1, L2, NL = 8, 4, 8, 2
NS = 16384
ALPHA = 0.1


def setup_inputs(seed: int = 0) -> dict:
    key = jax.random.key(seed)
    ks = jax.random.split(key, 18)
    inp = {}
    inp["paths_mm"] = jax.random.randint(ks[0], (P, Nm, L1), 0, Nm)
    inp["paths_dd"] = jax.random.randint(ks[1], (P, Nd, L1), 0, Nd)
    inp["paths_md"] = jax.random.randint(ks[2], (P, Nm + Nd, L2), 0, Nm + Nd)
    inp["samples"] = jax.random.randint(ks[3], (NS, 2), 0, Nm)
    inp["miRNA"] = jax.random.normal(ks[4], (Nm, Nm), jnp.float32)
    inp["disease"] = jax.random.normal(ks[5], (Nd, Nd), jnp.float32)
    inp["Wm"] = jax.random.normal(ks[6], (Nm, D), jnp.float32) * 0.02
    inp["Wd"] = jax.random.normal(ks[7], (Nd, D), jnp.float32) * 0.02
    inp["pw1"] = jax.random.normal(ks[8], (NL, L1, D), jnp.float32) * 0.1
    inp["pw2"] = jax.random.normal(ks[9], (NL, L2, D), jnp.float32) * 0.1
    inp["fcW"] = jax.random.normal(ks[10], (NL, D, D), jnp.float32) * 0.05
    inp["mW0"] = jax.random.normal(ks[11], (256, 4 * D), jnp.float32) * 0.05
    inp["mb0"] = jnp.zeros((256,), jnp.float32)
    inp["mW1"] = jax.random.normal(ks[12], (64, 256), jnp.float32) * 0.05
    inp["mb1"] = jnp.zeros((64,), jnp.float32)
    inp["mW2"] = jax.random.normal(ks[13], (1, 64), jnp.float32) * 0.05
    inp["mb2"] = jnp.zeros((1,), jnp.float32)
    return inp


def _path_layer(feats, paths, pw, fcW):
    # feats: (N, D); paths: (P, N, L); pw: (L, D); fcW: (D, D) torch Linear weight
    g = feats[paths]                       # gather -> (P, N, L, D)
    r = (g * pw[None, None]).sum(axis=2)   # (P, N, D)
    r = r.mean(axis=0)                     # sum over paths / num_path
    r = r @ fcW.T                          # Linear without bias
    return jax.nn.relu(r)


def _forward(miRNA, disease, Wm, Wd, pw1, pw2, fcW, mW0, mb0, mW1, mb1, mW2, mb2,
             paths_mm, paths_dd, paths_md, samples):
    hm = miRNA @ Wm   # lin_m(miRNA), recomputed identically in torch each use
    hd = disease @ Wd  # lin_d(disease)

    feats_mm = hm
    for l in range(NL):
        f = _path_layer(feats_mm, paths_mm, pw1[l], fcW[l])
        feats_mm = ALPHA * hm + (1.0 - ALPHA) * f

    feats_dd = hd
    for l in range(NL):
        f = _path_layer(feats_dd, paths_dd, pw1[l], fcW[l])
        feats_dd = ALPHA * hd + (1.0 - ALPHA) * f

    hmd = jnp.concatenate([hm, hd], axis=0)
    feats_md = hmd
    for l in range(NL):
        f = _path_layer(feats_md, paths_md, pw2[l], fcW[l])
        feats_md = ALPHA * hmd + (1.0 - ALPHA) * f

    emb_mm = jnp.concatenate([feats_mm, feats_md[:Nm]], axis=1)
    emb_dd = jnp.concatenate([feats_dd, feats_md[Nm:]], axis=1)
    emb = jnp.concatenate([emb_mm[samples[:, 0]], emb_dd[samples[:, 1]]], axis=1)

    h = emb @ mW0.T + mb0
    h = h @ mW1.T + mb1
    h = h @ mW2.T + mb2
    return jax.nn.sigmoid(h)


def reference(paths_mm, paths_dd, paths_md, samples, miRNA, disease, Wm, Wd,
              pw1, pw2, fcW, mW0, mb0, mW1, mb1, mW2, mb2):
    return _forward(miRNA, disease, Wm, Wd, pw1, pw2, fcW, mW0, mb0, mW1, mb1,
                    mW2, mb2, paths_mm, paths_dd, paths_md, samples)

if __name__ == "__main__":
    import jax
    _d = setup_inputs()
    print(jax.jit(kernel)(*tuple(_d.values())))

</pallas_src>

<mosaic_0001>
#map = affine_map<(d0, d1) -> (0, 0)>
#map1 = affine_map<(d0, d1) -> (0, 0, 0)>
module attributes {stable_mosaic.version = 14 : i64} {
  func.func @k(%arg0: i32, %arg1: i32, %arg2: memref<32768x128xf32, #tpu.memory_space<hbm>>, %arg3: memref<32x64x128xi32, #tpu.memory_space<hbm>>, %arg4: memref<8192x128xf32, #tpu.memory_space<hbm>>, %arg5: memref<64x128xi32, #tpu.memory_space<vmem>>, %arg6: memref<128x128xf32, #tpu.memory_space<vmem>>, %arg7: memref<128x128xf32, #tpu.memory_space<vmem>>, %arg8: memref<256x128xf32, #tpu.memory_space<vmem>>, %arg9: memref<!tpu.dma_semaphore, #tpu.memory_space<semaphore_mem>>, %arg10: memref<!tpu.dma_semaphore, #tpu.memory_space<semaphore_mem>>) attributes {dimension_semantics = [#tpu.dimension_semantics<core_parallel>, #tpu.dimension_semantics<subcore_parallel>], iteration_bounds = array<i64: 2, 16>, scalar_prefetch = 0 : i64, scratch_operands = 6 : i64, tpu.core_type = #tpu.core_type<sc_vector_subcore>, window_params = [{transform_indices = #map}, {transform_indices = #map1}, {transform_indices = #map}]} {
    %mul3A = arith.constant 2 : i32
    %mul3A_0 = arith.muli %arg1, %mul3A : i32
    %add3A = arith.addi %mul3A_0, %arg0 : i32
    %mul3A_1 = arith.constant 256 : i32
    %mul3A_2 = arith.muli %add3A, %mul3A_1 : i32
    "tpu.region"() ({
      %run_scoped3A = tpu.sem_alloc : memref<!tpu.dma_semaphore, #tpu.memory_space<semaphore_mem>>
      %dma_start3A_15 = arith.constant 0 : i32
      %dma_start3A_16 = arith.constant 0 : i32
      %dma_start3A_17 = tpu.memref_slice %arg3[%add3A, %dma_start3A_15, %dma_start3A_16] : memref<32x64x128xi32, #tpu.memory_space<hbm>> -> memref<1x64x128xi32, #tpu.memory_space<hbm>>
      %dma_start3A_18 = tpu.memref_squeeze %dma_start3A_17 : memref<1x64x128xi32, #tpu.memory_space<hbm>> -> memref<64x128xi32, #tpu.memory_space<hbm>>
      %dma_start3A_19 = arith.constant 0 : i32
      %dma_start3A_20 = arith.constant 0 : i32
      %dma_start3A_21 = tpu.memref_slice %arg3[%add3A, %dma_start3A_19, %dma_start3A_20] : memref<32x64x128xi32, #tpu.memory_space<hbm>> -> memref<1x64x128xi32, #tpu.memory_space<hbm>>
      %dma_start3A_22 = tpu.memref_squeeze %dma_start3A_21 : memref<1x64x128xi32, #tpu.memory_space<hbm>> -> memref<64x128xi32, #tpu.memory_space<hbm>>
      tpu.enqueue_dma source(%dma_start3A_22 : memref<64x128xi32, #tpu.memory_space<hbm>>) target(%arg5 : memref<64x128xi32, #tpu.memory_space<vmem>>) target_semaphore(%run_scoped3A : memref<!tpu.dma_semaphore, #tpu.memory_space<semaphore_mem>>)
      %dma_wait3A = arith.constant 0 : i32
      %dma_wait3A_23 = arith.constant 0 : i32
      %dma_wait3A_24 = tpu.memref_slice %arg3[%add3A, %dma_wait3A, %dma_wait3A_23] : memref<32x64x128xi32, #tpu.memory_space<hbm>> -> memref<1x64x128xi32, #tpu.memory_space<hbm>>
      %dma_wait3A_25 = tpu.memref_squeeze %dma_wait3A_24 : memref<1x64x128xi32, #tpu.memory_space<hbm>> -> memref<64x128xi32, #tpu.memory_space<hbm>>
      %dma_wait3A_26 = arith.constant 0 : i32
      %dma_wait3A_27 = arith.constant 0 : i32
      %dma_wait3A_28 = tpu.memref_slice %arg3[%add3A, %dma_wait3A_26, %dma_wait3A_27] : memref<32x64x128xi32, #tpu.memory_space<hbm>> -> memref<1x64x128xi32, #tpu.memory_space<hbm>>
      %dma_wait3A_29 = tpu.memref_squeeze %dma_wait3A_28 : memref<1x64x128xi32, #tpu.memory_space<hbm>> -> memref<64x128xi32, #tpu.memory_space<hbm>>
      tpu.wait_dma2 semaphore(%run_scoped3A : memref<!tpu.dma_semaphore, #tpu.memory_space<semaphore_mem>>) src(%dma_wait3A_29 : memref<64x128xi32, #tpu.memory_space<hbm>>) dst(%arg5 : memref<64x128xi32, #tpu.memory_space<vmem>>)
      tpu.yield
    }) : () -> ()
    %broadcast_in_dim3A = arith.constant 0.000000e+00 : f32
    %broadcast_in_dim3A_3 = vector.broadcast %broadcast_in_dim3A : f32 to vector<16xf32>
    %dma_start3A = arith.constant 0 : i32
    %dma_start3A_4 = arith.constant 0 : i32
    %dma_start3A_5 = tpu.memref_slice %arg5[%dma_start3A, %dma_start3A_4] : memref<64x128xi32, #tpu.memory_space<vmem>> -> memref<1x128xi32, #tpu.memory_space<vmem>>
    %dma_start3A_6 = tpu.memref_squeeze %dma_start3A_5 : memref<1x128xi32, #tpu.memory_space<vmem>> -> memref<128xi32, #tpu.memory_space<vmem>>
    %dma_start3A_7 = arith.constant 0 : i32
    %dma_start3A_8 = arith.constant 0 : i32
    %dma_start3A_9 = tpu.memref_slice %arg2[%dma_start3A_7, %dma_start3A_8] : memref<32768x128xf32, #tpu.memory_space<hbm>> -> memref<32768x128xf32, #tpu.memory_space<hbm>>
    tpu.enqueue_indirect_dma source(%dma_start3A_9 : memref<32768x128xf32, #tpu.memory_space<hbm>>) target(%arg6 : memref<128x128xf32, #tpu.memory_space<vmem>>) offsets(%dma_start3A_6 : memref<128xi32, #tpu.memory_space<vmem>>) semaphore(%arg9 : memref<!tpu.dma_semaphore, #tpu.memory_space<semaphore_mem>>)
    %scan3A = arith.constant 0 : i32
    %scan3A_10 = arith.constant 0 : i32
    %scan3A_11 = arith.constant 32 : i32
    %scan3A_12 = arith.addi %scan3A_10, %scan3A_11 : i32
    %scan3A_13 = arith.constant 1 : i32
    scf.for %scan3A_15 = %scan3A_10 to %scan3A_12 step %scan3A_13  : i32 {
      %mul3A_16 = arith.constant 2 : i32
      %mul3A_17 = arith.muli %mul3A_16, %scan3A_15 : i32
      %add3A_18 = arith.constant 1 : i32
      %add3A_19 = arith.addi %mul3A_17, %add3A_18 : i32
      %dma_start3A_20 = arith.constant 0 : i32
      %dma_start3A_21 = tpu.memref_slice %arg5[%add3A_19, %dma_start3A_20] : memref<64x128xi32, #tpu.memory_space<vmem>> -> memref<1x128xi32, #tpu.memory_space<vmem>>
      %dma_start3A_22 = tpu.memref_squeeze %dma_start3A_21 : memref<1x128xi32, #tpu.memory_space<vmem>> -> memref<128xi32, #tpu.memory_space<vmem>>
      %dma_start3A_23 = arith.constant 0 : i32
      %dma_start3A_24 = arith.constant 0 : i32
      %dma_start3A_25 = tpu.memref_slice %arg2[%dma_start3A_23, %dma_start3A_24] : memref<32768x128xf32, #tpu.memory_space<hbm>> -> memref<32768x128xf32, #tpu.memory_space<hbm>>
      tpu.enqueue_indirect_dma source(%dma_start3A_25 : memref<32768x128xf32, #tpu.memory_space<hbm>>) target(%arg7 : memref<128x128xf32, #tpu.memory_space<vmem>>) offsets(%dma_start3A_22 : memref<128xi32, #tpu.memory_space<vmem>>) semaphore(%arg10 : memref<!tpu.dma_semaphore, #tpu.memory_space<semaphore_mem>>)
      %dma_wait3A = arith.constant 0 : i32
      %dma_wait3A_26 = arith.constant 0 : i32
      %dma_wait3A_27 = tpu.memref_slice %arg5[%dma_wait3A, %dma_wait3A_26] : memref<64x128xi32, #tpu.memory_space<vmem>> -> memref<1x128xi32, #tpu.memory_space<vmem>>
      %dma_wait3A_28 = tpu.memref_squeeze %dma_wait3A_27 : memref<1x128xi32, #tpu.memory_space<vmem>> -> memref<128xi32, #tpu.memory_space<vmem>>
      %dma_wait3A_29 = arith.constant 0 : i32
      %dma_wait3A_30 = arith.constant 0 : i32
      %dma_wait3A_31 = tpu.memref_slice %arg2[%dma_wait3A_29, %dma_wait3A_30] : memref<32768x128xf32, #tpu.memory_space<hbm>> -> memref<32768x128xf32, #tpu.memory_space<hbm>>
      tpu.wait_indirect_dma semaphore(%arg9 : memref<!tpu.dma_semaphore, #tpu.memory_space<semaphore_mem>>) src(%dma_wait3A_31 : memref<32768x128xf32, #tpu.memory_space<hbm>>) dst(%arg6 : memref<128x128xf32, #tpu.memory_space<vmem>>)
      %shift_right_logical3A = arith.constant 5 : i32
      %shift_right_logical3A_32 = arith.shrui %mul3A_17, %shift_right_logical3A : i32
      %mul3A_33 = arith.constant 128 : i32
      %mul3A_34 = arith.muli %shift_right_logical3A_32, %mul3A_33 : i32
      %add3A_35 = arith.constant 2 : i32
      %add3A_36 = arith.addi %mul3A_17, %add3A_35 : i32
      %lt3A = arith.constant 64 : i32
      %lt3A_37 = arith.cmpi slt, %add3A_36, %lt3A : i32
      %convert_element_type3A = arith.extui %lt3A_37 : i1 to i32
      %cond3A = arith.constant 0 : i32
      %cond3A_38 = arith.cmpi ne, %convert_element_type3A, %cond3A : i32
      scf.if %cond3A_38 {
        %add3A_52 = arith.constant 2 : i32
        %add3A_53 = arith.addi %mul3A_17, %add3A_52 : i32
        %dma_start3A_54 = arith.constant 0 : i32
        %dma_start3A_55 = tpu.memref_slice %arg5[%add3A_53, %dma_start3A_54] : memref<64x128xi32, #tpu.memory_space<vmem>> -> memref<1x128xi32, #tpu.memory_space<vmem>>
        %dma_start3A_56 = tpu.memref_squeeze %dma_start3A_55 : memref<1x128xi32, #tpu.memory_space<vmem>> -> memref<128xi32, #tpu.memory_space<vmem>>
        %dma_start3A_57 = arith.constant 0 : i32
        %dma_start3A_58 = arith.constant 0 : i32
        %dma_start3A_59 = tpu.memref_slice %arg2[%dma_start3A_57, %dma_start3A_58] : memref<32768x128xf32, #tpu.memory_space<hbm>> -> memref<32768x128xf32, #tpu.memory_space<hbm>>
        tpu.enqueue_indirect_dma source(%dma_start3A_59 : memref<32768x128xf32, #tpu.memory_space<hbm>>) target(%arg6 : memref<128x128xf32, #tpu.memory_space<vmem>>) offsets(%dma_start3A_56 : memref<128xi32, #tpu.memory_space<vmem>>) semaphore(%arg9 : memref<!tpu.dma_semaphore, #tpu.memory_space<semaphore_mem>>)
      } else {
      }
      %dma_wait3A_39 = arith.constant 0 : i32
      %dma_wait3A_40 = arith.constant 0 : i32
      %dma_wait3A_41 = tpu.memref_slice %arg5[%dma_wait3A_39, %dma_wait3A_40] : memref<64x128xi32, #tpu.memory_space<vmem>> -> memref<1x128xi32, #tpu.memory_space<vmem>>
      %dma_wait3A_42 = tpu.memref_squeeze %dma_wait3A_41 : memref<1x128xi32, #tpu.memory_space<vmem>> -> memref<128xi32, #tpu.memory_space<vmem>>
      %dma_wait3A_43 = arith.constant 0 : i32
      %dma_wait3A_44 = arith.constant 0 : i32
      %dma_wait3A_45 = tpu.memref_slice %arg2[%dma_wait3A_43, %dma_wait3A_44] : memref<32768x128xf32, #tpu.memory_space<hbm>> -> memref<32768x128xf32, #tpu.memory_space<hbm>>
      tpu.wait_indirect_dma semaphore(%arg10 : memref<!tpu.dma_semaphore, #tpu.memory_space<semaphore_mem>>) src(%dma_wait3A_45 : memref<32768x128xf32, #tpu.memory_space<hbm>>) dst(%arg7 : memref<128x128xf32, #tpu.memory_space<vmem>>)
      %add3A_46 = arith.constant 1 : i32
      %add3A_47 = arith.addi %mul3A_17, %add3A_46 : i32
      %shift_right_logical3A_48 = arith.constant 5 : i32
      %shift_right_logical3A_49 = arith.shrui %add3A_47, %shift_right_logical3A_48 : i32
      %mul3A_50 = arith.constant 128 : i32
      %mul3A_51 = arith.muli %shift_right_logical3A_49, %mul3A_50 : i32
    }
    %scan3A_14 = arith.constant 32 : i32
    "tpu.region"() ({
      %run_scoped3A = tpu.sem_alloc : memref<!tpu.dma_semaphore, #tpu.memory_space<semaphore_mem>>
      %dma_start3A_15 = arith.constant 0 : i32
      %dma_start3A_16 = tpu.memref_slice %arg4[%mul3A_2, %dma_start3A_15] : memref<8192x128xf32, #tpu.memory_space<hbm>> -> memref<256x128xf32, #tpu.memory_space<hbm>>
      %dma_start3A_17 = arith.constant 0 : i32
      %dma_start3A_18 = tpu.memref_slice %arg4[%mul3A_2, %dma_start3A_17] : memref<8192x128xf32, #tpu.memory_space<hbm>> -> memref<256x128xf32, #tpu.memory_space<hbm>>
      tpu.enqueue_dma source(%arg8 : memref<256x128xf32, #tpu.memory_space<vmem>>) target(%dma_start3A_18 : memref<256x128xf32, #tpu.memory_space<hbm>>) target_semaphore(%run_scoped3A : memref<!tpu.dma_semaphore, #tpu.memory_space<semaphore_mem>>)
      %dma_wait3A = arith.constant 0 : i32
      %dma_wait3A_19 = tpu.memref_slice %arg4[%mul3A_2, %dma_wait3A] : memref<8192x128xf32, #tpu.memory_space<hbm>> -> memref<256x128xf32, #tpu.memory_space<hbm>>
      %dma_wait3A_20 = arith.constant 0 : i32
      %dma_wait3A_21 = tpu.memref_slice %arg4[%mul3A_2, %dma_wait3A_20] : memref<8192x128xf32, #tpu.memory_space<hbm>> -> memref<256x128xf32, #tpu.memory_space<hbm>>
      tpu.wait_dma2 semaphore(%run_scoped3A : memref<!tpu.dma_semaphore, #tpu.memory_space<semaphore_mem>>) src(%arg8 : memref<256x128xf32, #tpu.memory_space<vmem>>) dst(%dma_wait3A_21 : memref<256x128xf32, #tpu.memory_space<hbm>>)
      tpu.yield
    }) : () -> ()
    return
  }
}

#map = affine_map<(d0, d1) -> (0, 0)>
#map1 = affine_map<(d0, d1) -> (0, 0, 0)>
module attributes {stable_mosaic.version = 14 : i64} {
  func.func @k(%arg0: i32, %arg1: i32, %arg2: memref<65536x128xf32, #tpu.memory_space<hbm>>, %arg3: memref<32x128x128xi32, #tpu.memory_space<hbm>>, %arg4: memref<8192x128xf32, #tpu.memory_space<hbm>>, %arg5: memref<128x128xi32, #tpu.memory_space<vmem>>, %arg6: memref<128x128xf32, #tpu.memory_space<vmem>>, %arg7: memref<128x128xf32, #tpu.memory_space<vmem>>, %arg8: memref<256x128xf32, #tpu.memory_space<vmem>>, %arg9: memref<!tpu.dma_semaphore, #tpu.memory_space<semaphore_mem>>, %arg10: memref<!tpu.dma_semaphore, #tpu.memory_space<semaphore_mem>>) attributes {dimension_semantics = [#tpu.dimension_semantics<core_parallel>, #tpu.dimension_semantics<subcore_parallel>], iteration_bounds = array<i64: 2, 16>, scalar_prefetch = 0 : i64, scratch_operands = 6 : i64, tpu.core_type = #tpu.core_type<sc_vector_subcore>, window_params = [{transform_indices = #map}, {transform_indices = #map1}, {transform_indices = #map}]} {
    %mul3A = arith.constant 2 : i32
    %mul3A_0 = arith.muli %arg1, %mul3A : i32
    %add3A = arith.addi %mul3A_0, %arg0 : i32
    %mul3A_1 = arith.constant 256 : i32
    %mul3A_2 = arith.muli %add3A, %mul3A_1 : i32
    "tpu.region"() ({
      %run_scoped3A = tpu.sem_alloc : memref<!tpu.dma_semaphore, #tpu.memory_space<semaphore_mem>>
      %dma_start3A_15 = arith.constant 0 : i32
      %dma_start3A_16 = arith.constant 0 : i32
      %dma_start3A_17 = tpu.memref_slice %arg3[%add3A, %dma_start3A_15, %dma_start3A_16] : memref<32x128x128xi32, #tpu.memory_space<hbm>> -> memref<1x128x128xi32, #tpu.memory_space<hbm>>
      %dma_start3A_18 = tpu.memref_squeeze %dma_start3A_17 : memref<1x128x128xi32, #tpu.memory_space<hbm>> -> memref<128x128xi32, #tpu.memory_space<hbm>>
      %dma_start3A_19 = arith.constant 0 : i32
      %dma_start3A_20 = arith.constant 0 : i32
      %dma_start3A_21 = tpu.memref_slice %arg3[%add3A, %dma_start3A_19, %dma_start3A_20] : memref<32x128x128xi32, #tpu.memory_space<hbm>> -> memref<1x128x128xi32, #tpu.memory_space<hbm>>
      %dma_start3A_22 = tpu.memref_squeeze %dma_start3A_21 : memref<1x128x128xi32, #tpu.memory_space<hbm>> -> memref<128x128xi32, #tpu.memory_space<hbm>>
      tpu.enqueue_dma source(%dma_start3A_22 : memref<128x128xi32, #tpu.memory_space<hbm>>) target(%arg5 : memref<128x128xi32, #tpu.memory_space<vmem>>) target_semaphore(%run_scoped3A : memref<!tpu.dma_semaphore, #tpu.memory_space<semaphore_mem>>)
      %dma_wait3A = arith.constant 0 : i32
      %dma_wait3A_23 = arith.constant 0 : i32
      %dma_wait3A_24 = tpu.memref_slice %arg3[%add3A, %dma_wait3A, %dma_wait3A_23] : memref<32x128x128xi32, #tpu.memory_space<hbm>> -> memref<1x128x128xi32, #tpu.memory_space<hbm>>
      %dma_wait3A_25 = tpu.memref_squeeze %dma_wait3A_24 : memref<1x128x128xi32, #tpu.memory_space<hbm>> -> memref<128x128xi32, #tpu.memory_space<hbm>>
      %dma_wait3A_26 = arith.constant 0 : i32
      %dma_wait3A_27 = arith.constant 0 : i32
      %dma_wait3A_28 = tpu.memref_slice %arg3[%add3A, %dma_wait3A_26, %dma_wait3A_27] : memref<32x128x128xi32, #tpu.memory_space<hbm>> -> memref<1x128x128xi32, #tpu.memory_space<hbm>>
      %dma_wait3A_29 = tpu.memref_squeeze %dma_wait3A_28 : memref<1x128x128xi32, #tpu.memory_space<hbm>> -> memref<128x128xi32, #tpu.memory_space<hbm>>
      tpu.wait_dma2 semaphore(%run_scoped3A : memref<!tpu.dma_semaphore, #tpu.memory_space<semaphore_mem>>) src(%dma_wait3A_29 : memref<128x128xi32, #tpu.memory_space<hbm>>) dst(%arg5 : memref<128x128xi32, #tpu.memory_space<vmem>>)
      tpu.yield
    }) : () -> ()
    %broadcast_in_dim3A = arith.constant 0.000000e+00 : f32
    %broadcast_in_dim3A_3 = vector.broadcast %broadcast_in_dim3A : f32 to vector<16xf32>
    %dma_start3A = arith.constant 0 : i32
    %dma_start3A_4 = arith.constant 0 : i32
    %dma_start3A_5 = tpu.memref_slice %arg5[%dma_start3A, %dma_start3A_4] : memref<128x128xi32, #tpu.memory_space<vmem>> -> memref<1x128xi32, #tpu.memory_space<vmem>>
    %dma_start3A_6 = tpu.memref_squeeze %dma_start3A_5 : memref<1x128xi32, #tpu.memory_space<vmem>> -> memref<128xi32, #tpu.memory_space<vmem>>
    %dma_start3A_7 = arith.constant 0 : i32
    %dma_start3A_8 = arith.constant 0 : i32
    %dma_start3A_9 = tpu.memref_slice %arg2[%dma_start3A_7, %dma_start3A_8] : memref<65536x128xf32, #tpu.memory_space<hbm>> -> memref<65536x128xf32, #tpu.memory_space<hbm>>
    tpu.enqueue_indirect_dma source(%dma_start3A_9 : memref<65536x128xf32, #tpu.memory_space<hbm>>) target(%arg6 : memref<128x128xf32, #tpu.memory_space<vmem>>) offsets(%dma_start3A_6 : memref<128xi32, #tpu.memory_space<vmem>>) semaphore(%arg9 : memref<!tpu.dma_semaphore, #tpu.memory_space<semaphore_mem>>)
    %scan3A = arith.constant 0 : i32
    %scan3A_10 = arith.constant 0 : i32
    %scan3A_11 = arith.constant 64 : i32
    %scan3A_12 = arith.addi %scan3A_10, %scan3A_11 : i32
    %scan3A_13 = arith.constant 1 : i32
    scf.for %scan3A_15 = %scan3A_10 to %scan3A_12 step %scan3A_13  : i32 {
      %mul3A_16 = arith.constant 2 : i32
      %mul3A_17 = arith.muli %mul3A_16, %scan3A_15 : i32
      %add3A_18 = arith.constant 1 : i32
      %add3A_19 = arith.addi %mul3A_17, %add3A_18 : i32
      %dma_start3A_20 = arith.constant 0 : i32
      %dma_start3A_21 = tpu.memref_slice %arg5[%add3A_19, %dma_start3A_20] : memref<128x128xi32, #tpu.memory_space<vmem>> -> memref<1x128xi32, #tpu.memory_space<vmem>>
      %dma_start3A_22 = tpu.memref_squeeze %dma_start3A_21 : memref<1x128xi32, #tpu.memory_space<vmem>> -> memref<128xi32, #tpu.memory_space<vmem>>
      %dma_start3A_23 = arith.constant 0 : i32
      %dma_start3A_24 = arith.constant 0 : i32
      %dma_start3A_25 = tpu.memref_slice %arg2[%dma_start3A_23, %dma_start3A_24] : memref<65536x128xf32, #tpu.memory_space<hbm>> -> memref<65536x128xf32, #tpu.memory_space<hbm>>
      tpu.enqueue_indirect_dma source(%dma_start3A_25 : memref<65536x128xf32, #tpu.memory_space<hbm>>) target(%arg7 : memref<128x128xf32, #tpu.memory_space<vmem>>) offsets(%dma_start3A_22 : memref<128xi32, #tpu.memory_space<vmem>>) semaphore(%arg10 : memref<!tpu.dma_semaphore, #tpu.memory_space<semaphore_mem>>)
      %dma_wait3A = arith.constant 0 : i32
      %dma_wait3A_26 = arith.constant 0 : i32
      %dma_wait3A_27 = tpu.memref_slice %arg5[%dma_wait3A, %dma_wait3A_26] : memref<128x128xi32, #tpu.memory_space<vmem>> -> memref<1x128xi32, #tpu.memory_space<vmem>>
      %dma_wait3A_28 = tpu.memref_squeeze %dma_wait3A_27 : memref<1x128xi32, #tpu.memory_space<vmem>> -> memref<128xi32, #tpu.memory_space<vmem>>
      %dma_wait3A_29 = arith.constant 0 : i32
      %dma_wait3A_30 = arith.constant 0 : i32
      %dma_wait3A_31 = tpu.memref_slice %arg2[%dma_wait3A_29, %dma_wait3A_30] : memref<65536x128xf32, #tpu.memory_space<hbm>> -> memref<65536x128xf32, #tpu.memory_space<hbm>>
      tpu.wait_indirect_dma semaphore(%arg9 : memref<!tpu.dma_semaphore, #tpu.memory_space<semaphore_mem>>) src(%dma_wait3A_31 : memref<65536x128xf32, #tpu.memory_space<hbm>>) dst(%arg6 : memref<128x128xf32, #tpu.memory_space<vmem>>)
      %shift_right_logical3A = arith.constant 6 : i32
      %shift_right_logical3A_32 = arith.shrui %mul3A_17, %shift_right_logical3A : i32
      %mul3A_33 = arith.constant 128 : i32
      %mul3A_34 = arith.muli %shift_right_logical3A_32, %mul3A_33 : i32
      %add3A_35 = arith.constant 2 : i32
      %add3A_36 = arith.addi %mul3A_17, %add3A_35 : i32
      %lt3A = arith.constant 128 : i32
      %lt3A_37 = arith.cmpi slt, %add3A_36, %lt3A : i32
      %convert_element_type3A = arith.extui %lt3A_37 : i1 to i32
      %cond3A = arith.constant 0 : i32
      %cond3A_38 = arith.cmpi ne, %convert_element_type3A, %cond3A : i32
      scf.if %cond3A_38 {
        %add3A_52 = arith.constant 2 : i32
        %add3A_53 = arith.addi %mul3A_17, %add3A_52 : i32
        %dma_start3A_54 = arith.constant 0 : i32
        %dma_start3A_55 = tpu.memref_slice %arg5[%add3A_53, %dma_start3A_54] : memref<128x128xi32, #tpu.memory_space<vmem>> -> memref<1x128xi32, #tpu.memory_space<vmem>>
        %dma_start3A_56 = tpu.memref_squeeze %dma_start3A_55 : memref<1x128xi32, #tpu.memory_space<vmem>> -> memref<128xi32, #tpu.memory_space<vmem>>
        %dma_start3A_57 = arith.constant 0 : i32
        %dma_start3A_58 = arith.constant 0 : i32
        %dma_start3A_59 = tpu.memref_slice %arg2[%dma_start3A_57, %dma_start3A_58] : memref<65536x128xf32, #tpu.memory_space<hbm>> -> memref<65536x128xf32, #tpu.memory_space<hbm>>
        tpu.enqueue_indirect_dma source(%dma_start3A_59 : memref<65536x128xf32, #tpu.memory_space<hbm>>) target(%arg6 : memref<128x128xf32, #tpu.memory_space<vmem>>) offsets(%dma_start3A_56 : memref<128xi32, #tpu.memory_space<vmem>>) semaphore(%arg9 : memref<!tpu.dma_semaphore, #tpu.memory_space<semaphore_mem>>)
      } else {
      }
      %dma_wait3A_39 = arith.constant 0 : i32
      %dma_wait3A_40 = arith.constant 0 : i32
      %dma_wait3A_41 = tpu.memref_slice %arg5[%dma_wait3A_39, %dma_wait3A_40] : memref<128x128xi32, #tpu.memory_space<vmem>> -> memref<1x128xi32, #tpu.memory_space<vmem>>
      %dma_wait3A_42 = tpu.memref_squeeze %dma_wait3A_41 : memref<1x128xi32, #tpu.memory_space<vmem>> -> memref<128xi32, #tpu.memory_space<vmem>>
      %dma_wait3A_43 = arith.constant 0 : i32
      %dma_wait3A_44 = arith.constant 0 : i32
      %dma_wait3A_45 = tpu.memref_slice %arg2[%dma_wait3A_43, %dma_wait3A_44] : memref<65536x128xf32, #tpu.memory_space<hbm>> -> memref<65536x128xf32, #tpu.memory_space<hbm>>
      tpu.wait_indirect_dma semaphore(%arg10 : memref<!tpu.dma_semaphore, #tpu.memory_space<semaphore_mem>>) src(%dma_wait3A_45 : memref<65536x128xf32, #tpu.memory_space<hbm>>) dst(%arg7 : memref<128x128xf32, #tpu.memory_space<vmem>>)
      %add3A_46 = arith.constant 1 : i32
      %add3A_47 = arith.addi %mul3A_17, %add3A_46 : i32
      %shift_right_logical3A_48 = arith.constant 6 : i32
      %shift_right_logical3A_49 = arith.shrui %add3A_47, %shift_right_logical3A_48 : i32
      %mul3A_50 = arith.constant 128 : i32
      %mul3A_51 = arith.muli %shift_right_logical3A_49, %mul3A_50 : i32
    }
    %scan3A_14 = arith.constant 64 : i32
    "tpu.region"() ({
      %run_scoped3A = tpu.sem_alloc : memref<!tpu.dma_semaphore, #tpu.memory_space<semaphore_mem>>
      %dma_start3A_15 = arith.constant 0 : i32
      %dma_start3A_16 = tpu.memref_slice %arg4[%mul3A_2, %dma_start3A_15] : memref<8192x128xf32, #tpu.memory_space<hbm>> -> memref<256x128xf32, #tpu.memory_space<hbm>>
      %dma_start3A_17 = arith.constant 0 : i32
      %dma_start3A_18 = tpu.memref_slice %arg4[%mul3A_2, %dma_start3A_17] : memref<8192x128xf32, #tpu.memory_space<hbm>> -> memref<256x128xf32, #tpu.memory_space<hbm>>
      tpu.enqueue_dma source(%arg8 : memref<256x128xf32, #tpu.memory_space<vmem>>) target(%dma_start3A_18 : memref<256x128xf32, #tpu.memory_space<hbm>>) target_semaphore(%run_scoped3A : memref<!tpu.dma_semaphore, #tpu.memory_space<semaphore_mem>>)
      %dma_wait3A = arith.constant 0 : i32
      %dma_wait3A_19 = tpu.memref_slice %arg4[%mul3A_2, %dma_wait3A] : memref<8192x128xf32, #tpu.memory_space<hbm>> -> memref<256x128xf32, #tpu.memory_space<hbm>>
      %dma_wait3A_20 = arith.constant 0 : i32
      %dma_wait3A_21 = tpu.memref_slice %arg4[%mul3A_2, %dma_wait3A_20] : memref<8192x128xf32, #tpu.memory_space<hbm>> -> memref<256x128xf32, #tpu.memory_space<hbm>>
      tpu.wait_dma2 semaphore(%run_scoped3A : memref<!tpu.dma_semaphore, #tpu.memory_space<semaphore_mem>>) src(%arg8 : memref<256x128xf32, #tpu.memory_space<vmem>>) dst(%dma_wait3A_21 : memref<256x128xf32, #tpu.memory_space<hbm>>)
      tpu.yield
    }) : () -> ()
    return
  }
}

#map = affine_map<(d0, d1) -> (0, 0)>
#map1 = affine_map<(d0, d1) -> (0, 0, 0)>
module attributes {stable_mosaic.version = 14 : i64} {
  func.func @k(%arg0: i32, %arg1: i32, %arg2: memref<65536x128xf32, #tpu.memory_space<hbm>>, %arg3: memref<32x128x128xi32, #tpu.memory_space<hbm>>, %arg4: memref<8192x128xf32, #tpu.memory_space<hbm>>, %arg5: memref<128x128xi32, #tpu.memory_space<vmem>>, %arg6: memref<128x128xf32, #tpu.memory_space<vmem>>, %arg7: memref<128x128xf32, #tpu.memory_space<vmem>>, %arg8: memref<256x128xf32, #tpu.memory_space<vmem>>, %arg9: memref<!tpu.dma_semaphore, #tpu.memory_space<semaphore_mem>>, %arg10: memref<!tpu.dma_semaphore, #tpu.memory_space<semaphore_mem>>) attributes {dimension_semantics = [#tpu.dimension_semantics<core_parallel>, #tpu.dimension_semantics<subcore_parallel>], iteration_bounds = array<i64: 2, 16>, scalar_prefetch = 0 : i64, scratch_operands = 6 : i64, tpu.core_type = #tpu.core_type<sc_vector_subcore>, window_params = [{transform_indices = #map}, {transform_indices = #map1}, {transform_indices = #map}]} {
    %mul3A = arith.constant 2 : i32
    %mul3A_0 = arith.muli %arg1, %mul3A : i32
    %add3A = arith.addi %mul3A_0, %arg0 : i32
    %mul3A_1 = arith.constant 256 : i32
    %mul3A_2 = arith.muli %add3A, %mul3A_1 : i32
    "tpu.region"() ({
      %run_scoped3A = tpu.sem_alloc : memref<!tpu.dma_semaphore, #tpu.memory_space<semaphore_mem>>
      %dma_start3A_15 = arith.constant 0 : i32
      %dma_start3A_16 = arith.constant 0 : i32
      %dma_start3A_17 = tpu.memref_slice %arg3[%add3A, %dma_start3A_15, %dma_start3A_16] : memref<32x128x128xi32, #tpu.memory_space<hbm>> -> memref<1x128x128xi32, #tpu.memory_space<hbm>>
      %dma_start3A_18 = tpu.memref_squeeze %dma_start3A_17 : memref<1x128x128xi32, #tpu.memory_space<hbm>> -> memref<128x128xi32, #tpu.memory_space<hbm>>
      %dma_start3A_19 = arith.constant 0 : i32
      %dma_start3A_20 = arith.constant 0 : i32
      %dma_start3A_21 = tpu.memref_slice %arg3[%add3A, %dma_start3A_19, %dma_start3A_20] : memref<32x128x128xi32, #tpu.memory_space<hbm>> -> memref<1x128x128xi32, #tpu.memory_space<hbm>>
      %dma_start3A_22 = tpu.memref_squeeze %dma_start3A_21 : memref<1x128x128xi32, #tpu.memory_space<hbm>> -> memref<128x128xi32, #tpu.memory_space<hbm>>
      tpu.enqueue_dma source(%dma_start3A_22 : memref<128x128xi32, #tpu.memory_space<hbm>>) target(%arg5 : memref<128x128xi32, #tpu.memory_space<vmem>>) target_semaphore(%run_scoped3A : memref<!tpu.dma_semaphore, #tpu.memory_space<semaphore_mem>>)
      %dma_wait3A = arith.constant 0 : i32
      %dma_wait3A_23 = arith.constant 0 : i32
      %dma_wait3A_24 = tpu.memref_slice %arg3[%add3A, %dma_wait3A, %dma_wait3A_23] : memref<32x128x128xi32, #tpu.memory_space<hbm>> -> memref<1x128x128xi32, #tpu.memory_space<hbm>>
      %dma_wait3A_25 = tpu.memref_squeeze %dma_wait3A_24 : memref<1x128x128xi32, #tpu.memory_space<hbm>> -> memref<128x128xi32, #tpu.memory_space<hbm>>
      %dma_wait3A_26 = arith.constant 0 : i32
      %dma_wait3A_27 = arith.constant 0 : i32
      %dma_wait3A_28 = tpu.memref_slice %arg3[%add3A, %dma_wait3A_26, %dma_wait3A_27] : memref<32x128x128xi32, #tpu.memory_space<hbm>> -> memref<1x128x128xi32, #tpu.memory_space<hbm>>
      %dma_wait3A_29 = tpu.memref_squeeze %dma_wait3A_28 : memref<1x128x128xi32, #tpu.memory_space<hbm>> -> memref<128x128xi32, #tpu.memory_space<hbm>>
      tpu.wait_dma2 semaphore(%run_scoped3A : memref<!tpu.dma_semaphore, #tpu.memory_space<semaphore_mem>>) src(%dma_wait3A_29 : memref<128x128xi32, #tpu.memory_space<hbm>>) dst(%arg5 : memref<128x128xi32, #tpu.memory_space<vmem>>)
      tpu.yield
    }) : () -> ()
    %broadcast_in_dim3A = arith.constant 0.000000e+00 : f32
    %broadcast_in_dim3A_3 = vector.broadcast %broadcast_in_dim3A : f32 to vector<16xf32>
    %dma_start3A = arith.constant 0 : i32
    %dma_start3A_4 = arith.constant 0 : i32
    %dma_start3A_5 = tpu.memref_slice %arg5[%dma_start3A, %dma_start3A_4] : memref<128x128xi32, #tpu.memory_space<vmem>> -> memref<1x128xi32, #tpu.memory_space<vmem>>
    %dma_start3A_6 = tpu.memref_squeeze %dma_start3A_5 : memref<1x128xi32, #tpu.memory_space<vmem>> -> memref<128xi32, #tpu.memory_space<vmem>>
    %dma_start3A_7 = arith.constant 0 : i32
    %dma_start3A_8 = arith.constant 0 : i32
    %dma_start3A_9 = tpu.memref_slice %arg2[%dma_start3A_7, %dma_start3A_8] : memref<65536x128xf32, #tpu.memory_space<hbm>> -> memref<65536x128xf32, #tpu.memory_space<hbm>>
    tpu.enqueue_indirect_dma source(%dma_start3A_9 : memref<65536x128xf32, #tpu.memory_space<hbm>>) target(%arg6 : memref<128x128xf32, #tpu.memory_space<vmem>>) offsets(%dma_start3A_6 : memref<128xi32, #tpu.memory_space<vmem>>) semaphore(%arg9 : memref<!tpu.dma_semaphore, #tpu.memory_space<semaphore_mem>>)
    %scan3A = arith.constant 0 : i32
    %scan3A_10 = arith.constant 0 : i32
    %scan3A_11 = arith.constant 64 : i32
    %scan3A_12 = arith.addi %scan3A_10, %scan3A_11 : i32
    %scan3A_13 = arith.constant 1 : i32
    scf.for %scan3A_15 = %scan3A_10 to %scan3A_12 step %scan3A_13  : i32 {
      %mul3A_16 = arith.constant 2 : i32
      %mul3A_17 = arith.muli %mul3A_16, %scan3A_15 : i32
      %add3A_18 = arith.constant 1 : i32
      %add3A_19 = arith.addi %mul3A_17, %add3A_18 : i32
      %dma_start3A_20 = arith.constant 0 : i32
      %dma_start3A_21 = tpu.memref_slice %arg5[%add3A_19, %dma_start3A_20] : memref<128x128xi32, #tpu.memory_space<vmem>> -> memref<1x128xi32, #tpu.memory_space<vmem>>
      %dma_start3A_22 = tpu.memref_squeeze %dma_start3A_21 : memref<1x128xi32, #tpu.memory_space<vmem>> -> memref<128xi32, #tpu.memory_space<vmem>>
      %dma_start3A_23 = arith.constant 0 : i32
      %dma_start3A_24 = arith.constant 0 : i32
      %dma_start3A_25 = tpu.memref_slice %arg2[%dma_start3A_23, %dma_start3A_24] : memref<65536x128xf32, #tpu.memory_space<hbm>> -> memref<65536x128xf32, #tpu.memory_space<hbm>>
      tpu.enqueue_indirect_dma source(%dma_start3A_25 : memref<65536x128xf32, #tpu.memory_space<hbm>>) target(%arg7 : memref<128x128xf32, #tpu.memory_space<vmem>>) offsets(%dma_start3A_22 : memref<128xi32, #tpu.memory_space<vmem>>) semaphore(%arg10 : memref<!tpu.dma_semaphore, #tpu.memory_space<semaphore_mem>>)
      %dma_wait3A = arith.constant 0 : i32
      %dma_wait3A_26 = arith.constant 0 : i32
      %dma_wait3A_27 = tpu.memref_slice %arg5[%dma_wait3A, %dma_wait3A_26] : memref<128x128xi32, #tpu.memory_space<vmem>> -> memref<1x128xi32, #tpu.memory_space<vmem>>
      %dma_wait3A_28 = tpu.memref_squeeze %dma_wait3A_27 : memref<1x128xi32, #tpu.memory_space<vmem>> -> memref<128xi32, #tpu.memory_space<vmem>>
      %dma_wait3A_29 = arith.constant 0 : i32
      %dma_wait3A_30 = arith.constant 0 : i32
      %dma_wait3A_31 = tpu.memref_slice %arg2[%dma_wait3A_29, %dma_wait3A_30] : memref<65536x128xf32, #tpu.memory_space<hbm>> -> memref<65536x128xf32, #tpu.memory_space<hbm>>
      tpu.wait_indirect_dma semaphore(%arg9 : memref<!tpu.dma_semaphore, #tpu.memory_space<semaphore_mem>>) src(%dma_wait3A_31 : memref<65536x128xf32, #tpu.memory_space<hbm>>) dst(%arg6 : memref<128x128xf32, #tpu.memory_space<vmem>>)
      %shift_right_logical3A = arith.constant 6 : i32
      %shift_right_logical3A_32 = arith.shrui %mul3A_17, %shift_right_logical3A : i32
      %mul3A_33 = arith.constant 128 : i32
      %mul3A_34 = arith.muli %shift_right_logical3A_32, %mul3A_33 : i32
      %add3A_35 = arith.constant 2 : i32
      %add3A_36 = arith.addi %mul3A_17, %add3A_35 : i32
      %lt3A = arith.constant 128 : i32
      %lt3A_37 = arith.cmpi slt, %add3A_36, %lt3A : i32
      %convert_element_type3A = arith.extui %lt3A_37 : i1 to i32
      %cond3A = arith.constant 0 : i32
      %cond3A_38 = arith.cmpi ne, %convert_element_type3A, %cond3A : i32
      scf.if %cond3A_38 {
        %add3A_52 = arith.constant 2 : i32
        %add3A_53 = arith.addi %mul3A_17, %add3A_52 : i32
        %dma_start3A_54 = arith.constant 0 : i32
        %dma_start3A_55 = tpu.memref_slice %arg5[%add3A_53, %dma_start3A_54] : memref<128x128xi32, #tpu.memory_space<vmem>> -> memref<1x128xi32, #tpu.memory_space<vmem>>
        %dma_start3A_56 = tpu.memref_squeeze %dma_start3A_55 : memref<1x128xi32, #tpu.memory_space<vmem>> -> memref<128xi32, #tpu.memory_space<vmem>>
        %dma_start3A_57 = arith.constant 0 : i32
        %dma_start3A_58 = arith.constant 0 : i32
        %dma_start3A_59 = tpu.memref_slice %arg2[%dma_start3A_57, %dma_start3A_58] : memref<65536x128xf32, #tpu.memory_space<hbm>> -> memref<65536x128xf32, #tpu.memory_space<hbm>>
        tpu.enqueue_indirect_dma source(%dma_start3A_59 : memref<65536x128xf32, #tpu.memory_space<hbm>>) target(%arg6 : memref<128x128xf32, #tpu.memory_space<vmem>>) offsets(%dma_start3A_56 : memref<128xi32, #tpu.memory_space<vmem>>) semaphore(%arg9 : memref<!tpu.dma_semaphore, #tpu.memory_space<semaphore_mem>>)
      } else {
      }
      %dma_wait3A_39 = arith.constant 0 : i32
      %dma_wait3A_40 = arith.constant 0 : i32
      %dma_wait3A_41 = tpu.memref_slice %arg5[%dma_wait3A_39, %dma_wait3A_40] : memref<128x128xi32, #tpu.memory_space<vmem>> -> memref<1x128xi32, #tpu.memory_space<vmem>>
      %dma_wait3A_42 = tpu.memref_squeeze %dma_wait3A_41 : memref<1x128xi32, #tpu.memory_space<vmem>> -> memref<128xi32, #tpu.memory_space<vmem>>
      %dma_wait3A_43 = arith.constant 0 : i32
      %dma_wait3A_44 = arith.constant 0 : i32
      %dma_wait3A_45 = tpu.memref_slice %arg2[%dma_wait3A_43, %dma_wait3A_44] : memref<65536x128xf32, #tpu.memory_space<hbm>> -> memref<65536x128xf32, #tpu.memory_space<hbm>>
      tpu.wait_indirect_dma semaphore(%arg10 : memref<!tpu.dma_semaphore, #tpu.memory_space<semaphore_mem>>) src(%dma_wait3A_45 : memref<65536x128xf32, #tpu.memory_space<hbm>>) dst(%arg7 : memref<128x128xf32, #tpu.memory_space<vmem>>)
      %add3A_46 = arith.constant 1 : i32
      %add3A_47 = arith.addi %mul3A_17, %add3A_46 : i32
      %shift_right_logical3A_48 = arith.constant 6 : i32
      %shift_right_logical3A_49 = arith.shrui %add3A_47, %shift_right_logical3A_48 : i32
      %mul3A_50 = arith.constant 128 : i32
      %mul3A_51 = arith.muli %shift_right_logical3A_49, %mul3A_50 : i32
    }
    %scan3A_14 = arith.constant 64 : i32
    "tpu.region"() ({
      %run_scoped3A = tpu.sem_alloc : memref<!tpu.dma_semaphore, #tpu.memory_space<semaphore_mem>>
      %dma_start3A_15 = arith.constant 0 : i32
      %dma_start3A_16 = tpu.memref_slice %arg4[%mul3A_2, %dma_start3A_15] : memref<8192x128xf32, #tpu.memory_space<hbm>> -> memref<256x128xf32, #tpu.memory_space<hbm>>
      %dma_start3A_17 = arith.constant 0 : i32
      %dma_start3A_18 = tpu.memref_slice %arg4[%mul3A_2, %dma_start3A_17] : memref<8192x128xf32, #tpu.memory_space<hbm>> -> memref<256x128xf32, #tpu.memory_space<hbm>>
      tpu.enqueue_dma source(%arg8 : memref<256x128xf32, #tpu.memory_space<vmem>>) target(%dma_start3A_18 : memref<256x128xf32, #tpu.memory_space<hbm>>) target_semaphore(%run_scoped3A : memref<!tpu.dma_semaphore, #tpu.memory_space<semaphore_mem>>)
      %dma_wait3A = arith.constant 0 : i32
      %dma_wait3A_19 = tpu.memref_slice %arg4[%mul3A_2, %dma_wait3A] : memref<8192x128xf32, #tpu.memory_space<hbm>> -> memref<256x128xf32, #tpu.memory_space<hbm>>
      %dma_wait3A_20 = arith.constant 0 : i32
      %dma_wait3A_21 = tpu.memref_slice %arg4[%mul3A_2, %dma_wait3A_20] : memref<8192x128xf32, #tpu.memory_space<hbm>> -> memref<256x128xf32, #tpu.memory_space<hbm>>
      tpu.wait_dma2 semaphore(%run_scoped3A : memref<!tpu.dma_semaphore, #tpu.memory_space<semaphore_mem>>) src(%arg8 : memref<256x128xf32, #tpu.memory_space<vmem>>) dst(%dma_wait3A_21 : memref<256x128xf32, #tpu.memory_space<hbm>>)
      tpu.yield
    }) : () -> ()
    return
  }
}

#map = affine_map<(d0, d1) -> (0, 0)>
#map1 = affine_map<(d0, d1) -> (0, 0, 0)>
module attributes {stable_mosaic.version = 14 : i64} {
  func.func @k(%arg0: i32, %arg1: i32, %arg2: memref<32768x128xf32, #tpu.memory_space<hbm>>, %arg3: memref<32x64x128xi32, #tpu.memory_space<hbm>>, %arg4: memref<8192x128xf32, #tpu.memory_space<hbm>>, %arg5: memref<64x128xi32, #tpu.memory_space<vmem>>, %arg6: memref<128x128xf32, #tpu.memory_space<vmem>>, %arg7: memref<128x128xf32, #tpu.memory_space<vmem>>, %arg8: memref<256x128xf32, #tpu.memory_space<vmem>>, %arg9: memref<!tpu.dma_semaphore, #tpu.memory_space<semaphore_mem>>, %arg10: memref<!tpu.dma_semaphore, #tpu.memory_space<semaphore_mem>>) attributes {dimension_semantics = [#tpu.dimension_semantics<core_parallel>, #tpu.dimension_semantics<subcore_parallel>], iteration_bounds = array<i64: 2, 16>, scalar_prefetch = 0 : i64, scratch_operands = 6 : i64, tpu.core_type = #tpu.core_type<sc_vector_subcore>, window_params = [{transform_indices = #map}, {transform_indices = #map1}, {transform_indices = #map}]} {
    %mul3A = arith.constant 2 : i32
    %mul3A_0 = arith.muli %arg1, %mul3A : i32
    %add3A = arith.addi %mul3A_0, %arg0 : i32
    %mul3A_1 = arith.constant 256 : i32
    %mul3A_2 = arith.muli %add3A, %mul3A_1 : i32
    "tpu.region"() ({
      %run_scoped3A = tpu.sem_alloc : memref<!tpu.dma_semaphore, #tpu.memory_space<semaphore_mem>>
      %dma_start3A_15 = arith.constant 0 : i32
      %dma_start3A_16 = arith.constant 0 : i32
      %dma_start3A_17 = tpu.memref_slice %arg3[%add3A, %dma_start3A_15, %dma_start3A_16] : memref<32x64x128xi32, #tpu.memory_space<hbm>> -> memref<1x64x128xi32, #tpu.memory_space<hbm>>
      %dma_start3A_18 = tpu.memref_squeeze %dma_start3A_17 : memref<1x64x128xi32, #tpu.memory_space<hbm>> -> memref<64x128xi32, #tpu.memory_space<hbm>>
      %dma_start3A_19 = arith.constant 0 : i32
      %dma_start3A_20 = arith.constant 0 : i32
      %dma_start3A_21 = tpu.memref_slice %arg3[%add3A, %dma_start3A_19, %dma_start3A_20] : memref<32x64x128xi32, #tpu.memory_space<hbm>> -> memref<1x64x128xi32, #tpu.memory_space<hbm>>
      %dma_start3A_22 = tpu.memref_squeeze %dma_start3A_21 : memref<1x64x128xi32, #tpu.memory_space<hbm>> -> memref<64x128xi32, #tpu.memory_space<hbm>>
      tpu.enqueue_dma source(%dma_start3A_22 : memref<64x128xi32, #tpu.memory_space<hbm>>) target(%arg5 : memref<64x128xi32, #tpu.memory_space<vmem>>) target_semaphore(%run_scoped3A : memref<!tpu.dma_semaphore, #tpu.memory_space<semaphore_mem>>)
      %dma_wait3A = arith.constant 0 : i32
      %dma_wait3A_23 = arith.constant 0 : i32
      %dma_wait3A_24 = tpu.memref_slice %arg3[%add3A, %dma_wait3A, %dma_wait3A_23] : memref<32x64x128xi32, #tpu.memory_space<hbm>> -> memref<1x64x128xi32, #tpu.memory_space<hbm>>
      %dma_wait3A_25 = tpu.memref_squeeze %dma_wait3A_24 : memref<1x64x128xi32, #tpu.memory_space<hbm>> -> memref<64x128xi32, #tpu.memory_space<hbm>>
      %dma_wait3A_26 = arith.constant 0 : i32
      %dma_wait3A_27 = arith.constant 0 : i32
      %dma_wait3A_28 = tpu.memref_slice %arg3[%add3A, %dma_wait3A_26, %dma_wait3A_27] : memref<32x64x128xi32, #tpu.memory_space<hbm>> -> memref<1x64x128xi32, #tpu.memory_space<hbm>>
      %dma_wait3A_29 = tpu.memref_squeeze %dma_wait3A_28 : memref<1x64x128xi32, #tpu.memory_space<hbm>> -> memref<64x128xi32, #tpu.memory_space<hbm>>
      tpu.wait_dma2 semaphore(%run_scoped3A : memref<!tpu.dma_semaphore, #tpu.memory_space<semaphore_mem>>) src(%dma_wait3A_29 : memref<64x128xi32, #tpu.memory_space<hbm>>) dst(%arg5 : memref<64x128xi32, #tpu.memory_space<vmem>>)
      tpu.yield
    }) : () -> ()
    %broadcast_in_dim3A = arith.constant 0.000000e+00 : f32
    %broadcast_in_dim3A_3 = vector.broadcast %broadcast_in_dim3A : f32 to vector<16xf32>
    %dma_start3A = arith.constant 0 : i32
    %dma_start3A_4 = arith.constant 0 : i32
    %dma_start3A_5 = tpu.memref_slice %arg5[%dma_start3A, %dma_start3A_4] : memref<64x128xi32, #tpu.memory_space<vmem>> -> memref<1x128xi32, #tpu.memory_space<vmem>>
    %dma_start3A_6 = tpu.memref_squeeze %dma_start3A_5 : memref<1x128xi32, #tpu.memory_space<vmem>> -> memref<128xi32, #tpu.memory_space<vmem>>
    %dma_start3A_7 = arith.constant 0 : i32
    %dma_start3A_8 = arith.constant 0 : i32
    %dma_start3A_9 = tpu.memref_slice %arg2[%dma_start3A_7, %dma_start3A_8] : memref<32768x128xf32, #tpu.memory_space<hbm>> -> memref<32768x128xf32, #tpu.memory_space<hbm>>
    tpu.enqueue_indirect_dma source(%dma_start3A_9 : memref<32768x128xf32, #tpu.memory_space<hbm>>) target(%arg6 : memref<128x128xf32, #tpu.memory_space<vmem>>) offsets(%dma_start3A_6 : memref<128xi32, #tpu.memory_space<vmem>>) semaphore(%arg9 : memref<!tpu.dma_semaphore, #tpu.memory_space<semaphore_mem>>)
    %scan3A = arith.constant 0 : i32
    %scan3A_10 = arith.constant 0 : i32
    %scan3A_11 = arith.constant 32 : i32
    %scan3A_12 = arith.addi %scan3A_10, %scan3A_11 : i32
    %scan3A_13 = arith.constant 1 : i32
    scf.for %scan3A_15 = %scan3A_10 to %scan3A_12 step %scan3A_13  : i32 {
      %mul3A_16 = arith.constant 2 : i32
      %mul3A_17 = arith.muli %mul3A_16, %scan3A_15 : i32
      %add3A_18 = arith.constant 1 : i32
      %add3A_19 = arith.addi %mul3A_17, %add3A_18 : i32
      %dma_start3A_20 = arith.constant 0 : i32
      %dma_start3A_21 = tpu.memref_slice %arg5[%add3A_19, %dma_start3A_20] : memref<64x128xi32, #tpu.memory_space<vmem>> -> memref<1x128xi32, #tpu.memory_space<vmem>>
      %dma_start3A_22 = tpu.memref_squeeze %dma_start3A_21 : memref<1x128xi32, #tpu.memory_space<vmem>> -> memref<128xi32, #tpu.memory_space<vmem>>
      %dma_start3A_23 = arith.constant 0 : i32
      %dma_start3A_24 = arith.constant 0 : i32
      %dma_start3A_25 = tpu.memref_slice %arg2[%dma_start3A_23, %dma_start3A_24] : memref<32768x128xf32, #tpu.memory_space<hbm>> -> memref<32768x128xf32, #tpu.memory_space<hbm>>
      tpu.enqueue_indirect_dma source(%dma_start3A_25 : memref<32768x128xf32, #tpu.memory_space<hbm>>) target(%arg7 : memref<128x128xf32, #tpu.memory_space<vmem>>) offsets(%dma_start3A_22 : memref<128xi32, #tpu.memory_space<vmem>>) semaphore(%arg10 : memref<!tpu.dma_semaphore, #tpu.memory_space<semaphore_mem>>)
      %dma_wait3A = arith.constant 0 : i32
      %dma_wait3A_26 = arith.constant 0 : i32
      %dma_wait3A_27 = tpu.memref_slice %arg5[%dma_wait3A, %dma_wait3A_26] : memref<64x128xi32, #tpu.memory_space<vmem>> -> memref<1x128xi32, #tpu.memory_space<vmem>>
      %dma_wait3A_28 = tpu.memref_squeeze %dma_wait3A_27 : memref<1x128xi32, #tpu.memory_space<vmem>> -> memref<128xi32, #tpu.memory_space<vmem>>
      %dma_wait3A_29 = arith.constant 0 : i32
      %dma_wait3A_30 = arith.constant 0 : i32
      %dma_wait3A_31 = tpu.memref_slice %arg2[%dma_wait3A_29, %dma_wait3A_30] : memref<32768x128xf32, #tpu.memory_space<hbm>> -> memref<32768x128xf32, #tpu.memory_space<hbm>>
      tpu.wait_indirect_dma semaphore(%arg9 : memref<!tpu.dma_semaphore, #tpu.memory_space<semaphore_mem>>) src(%dma_wait3A_31 : memref<32768x128xf32, #tpu.memory_space<hbm>>) dst(%arg6 : memref<128x128xf32, #tpu.memory_space<vmem>>)
      %shift_right_logical3A = arith.constant 5 : i32
      %shift_right_logical3A_32 = arith.shrui %mul3A_17, %shift_right_logical3A : i32
      %mul3A_33 = arith.constant 128 : i32
      %mul3A_34 = arith.muli %shift_right_logical3A_32, %mul3A_33 : i32
      %add3A_35 = arith.constant 2 : i32
      %add3A_36 = arith.addi %mul3A_17, %add3A_35 : i32
      %lt3A = arith.constant 64 : i32
      %lt3A_37 = arith.cmpi slt, %add3A_36, %lt3A : i32
      %convert_element_type3A = arith.extui %lt3A_37 : i1 to i32
      %cond3A = arith.constant 0 : i32
      %cond3A_38 = arith.cmpi ne, %convert_element_type3A, %cond3A : i32
      scf.if %cond3A_38 {
        %add3A_52 = arith.constant 2 : i32
        %add3A_53 = arith.addi %mul3A_17, %add3A_52 : i32
        %dma_start3A_54 = arith.constant 0 : i32
        %dma_start3A_55 = tpu.memref_slice %arg5[%add3A_53, %dma_start3A_54] : memref<64x128xi32, #tpu.memory_space<vmem>> -> memref<1x128xi32, #tpu.memory_space<vmem>>
        %dma_start3A_56 = tpu.memref_squeeze %dma_start3A_55 : memref<1x128xi32, #tpu.memory_space<vmem>> -> memref<128xi32, #tpu.memory_space<vmem>>
        %dma_start3A_57 = arith.constant 0 : i32
        %dma_start3A_58 = arith.constant 0 : i32
        %dma_start3A_59 = tpu.memref_slice %arg2[%dma_start3A_57, %dma_start3A_58] : memref<32768x128xf32, #tpu.memory_space<hbm>> -> memref<32768x128xf32, #tpu.memory_space<hbm>>
        tpu.enqueue_indirect_dma source(%dma_start3A_59 : memref<32768x128xf32, #tpu.memory_space<hbm>>) target(%arg6 : memref<128x128xf32, #tpu.memory_space<vmem>>) offsets(%dma_start3A_56 : memref<128xi32, #tpu.memory_space<vmem>>) semaphore(%arg9 : memref<!tpu.dma_semaphore, #tpu.memory_space<semaphore_mem>>)
      } else {
      }
      %dma_wait3A_39 = arith.constant 0 : i32
      %dma_wait3A_40 = arith.constant 0 : i32
      %dma_wait3A_41 = tpu.memref_slice %arg5[%dma_wait3A_39, %dma_wait3A_40] : memref<64x128xi32, #tpu.memory_space<vmem>> -> memref<1x128xi32, #tpu.memory_space<vmem>>
      %dma_wait3A_42 = tpu.memref_squeeze %dma_wait3A_41 : memref<1x128xi32, #tpu.memory_space<vmem>> -> memref<128xi32, #tpu.memory_space<vmem>>
      %dma_wait3A_43 = arith.constant 0 : i32
      %dma_wait3A_44 = arith.constant 0 : i32
      %dma_wait3A_45 = tpu.memref_slice %arg2[%dma_wait3A_43, %dma_wait3A_44] : memref<32768x128xf32, #tpu.memory_space<hbm>> -> memref<32768x128xf32, #tpu.memory_space<hbm>>
      tpu.wait_indirect_dma semaphore(%arg10 : memref<!tpu.dma_semaphore, #tpu.memory_space<semaphore_mem>>) src(%dma_wait3A_45 : memref<32768x128xf32, #tpu.memory_space<hbm>>) dst(%arg7 : memref<128x128xf32, #tpu.memory_space<vmem>>)
      %add3A_46 = arith.constant 1 : i32
      %add3A_47 = arith.addi %mul3A_17, %add3A_46 : i32
      %shift_right_logical3A_48 = arith.constant 5 : i32
      %shift_right_logical3A_49 = arith.shrui %add3A_47, %shift_right_logical3A_48 : i32
      %mul3A_50 = arith.constant 128 : i32
      %mul3A_51 = arith.muli %shift_right_logical3A_49, %mul3A_50 : i32
    }
    %scan3A_14 = arith.constant 32 : i32
    "tpu.region"() ({
      %run_scoped3A = tpu.sem_alloc : memref<!tpu.dma_semaphore, #tpu.memory_space<semaphore_mem>>
      %dma_start3A_15 = arith.constant 0 : i32
      %dma_start3A_16 = tpu.memref_slice %arg4[%mul3A_2, %dma_start3A_15] : memref<8192x128xf32, #tpu.memory_space<hbm>> -> memref<256x128xf32, #tpu.memory_space<hbm>>
      %dma_start3A_17 = arith.constant 0 : i32
      %dma_start3A_18 = tpu.memref_slice %arg4[%mul3A_2, %dma_start3A_17] : memref<8192x128xf32, #tpu.memory_space<hbm>> -> memref<256x128xf32, #tpu.memory_space<hbm>>
      tpu.enqueue_dma source(%arg8 : memref<256x128xf32, #tpu.memory_space<vmem>>) target(%dma_start3A_18 : memref<256x128xf32, #tpu.memory_space<hbm>>) target_semaphore(%run_scoped3A : memref<!tpu.dma_semaphore, #tpu.memory_space<semaphore_mem>>)
      %dma_wait3A = arith.constant 0 : i32
      %dma_wait3A_19 = tpu.memref_slice %arg4[%mul3A_2, %dma_wait3A] : memref<8192x128xf32, #tpu.memory_space<hbm>> -> memref<256x128xf32, #tpu.memory_space<hbm>>
      %dma_wait3A_20 = arith.constant 0 : i32
      %dma_wait3A_21 = tpu.memref_slice %arg4[%mul3A_2, %dma_wait3A_20] : memref<8192x128xf32, #tpu.memory_space<hbm>> -> memref<256x128xf32, #tpu.memory_space<hbm>>
      tpu.wait_dma2 semaphore(%run_scoped3A : memref<!tpu.dma_semaphore, #tpu.memory_space<semaphore_mem>>) src(%arg8 : memref<256x128xf32, #tpu.memory_space<vmem>>) dst(%dma_wait3A_21 : memref<256x128xf32, #tpu.memory_space<hbm>>)
      tpu.yield
    }) : () -> ()
    return
  }
}

#map = affine_map<(d0, d1) -> (0)>
#map1 = affine_map<(d0, d1) -> (0, 0)>
module attributes {stable_mosaic.version = 14 : i64} {
  func.func @k(%arg0: i32, %arg1: i32, %arg2: memref<4096xf32, #tpu.memory_space<hbm>>, %arg3: memref<4096xf32, #tpu.memory_space<hbm>>, %arg4: memref<2x16384xi32, #tpu.memory_space<hbm>>, %arg5: memref<16384xf32, #tpu.memory_space<hbm>>, %arg6: memref<512xi32, #tpu.memory_space<vmem>>, %arg7: memref<512xi32, #tpu.memory_space<vmem>>, %arg8: memref<512xf32, #tpu.memory_space<vmem>>, %arg9: memref<512xf32, #tpu.memory_space<vmem>>, %arg10: memref<512xf32, #tpu.memory_space<vmem>>, %arg11: memref<!tpu.dma_semaphore, #tpu.memory_space<semaphore_mem>>, %arg12: memref<!tpu.dma_semaphore, #tpu.memory_space<semaphore_mem>>) attributes {dimension_semantics = [#tpu.dimension_semantics<core_parallel>, #tpu.dimension_semantics<subcore_parallel>], iteration_bounds = array<i64: 2, 16>, scalar_prefetch = 0 : i64, scratch_operands = 7 : i64, tpu.core_type = #tpu.core_type<sc_vector_subcore>, window_params = [{transform_indices = #map}, {transform_indices = #map}, {transform_indices = #map1}, {transform_indices = #map}]} {
    %mul3A = arith.constant 2 : i32
    %mul3A_0 = arith.muli %arg1, %mul3A : i32
    %add3A = arith.addi %mul3A_0, %arg0 : i32
    %mul3A_1 = arith.constant 512 : i32
    %mul3A_2 = arith.muli %add3A, %mul3A_1 : i32
    %run_scoped3A = arith.constant 0 : i32
    "tpu.region"() ({
      %run_scoped3A_15 = tpu.sem_alloc : memref<!tpu.dma_semaphore, #tpu.memory_space<semaphore_mem>>
      %dma_start3A_16 = tpu.memref_slice %arg4[%run_scoped3A, %mul3A_2] : memref<2x16384xi32, #tpu.memory_space<hbm>> -> memref<1x512xi32, #tpu.memory_space<hbm>>
      %dma_start3A_17 = tpu.memref_squeeze %dma_start3A_16 : memref<1x512xi32, #tpu.memory_space<hbm>> -> memref<512xi32, #tpu.memory_space<hbm>>
      %dma_start3A_18 = tpu.memref_slice %arg4[%run_scoped3A, %mul3A_2] : memref<2x16384xi32, #tpu.memory_space<hbm>> -> memref<1x512xi32, #tpu.memory_space<hbm>>
      %dma_start3A_19 = tpu.memref_squeeze %dma_start3A_18 : memref<1x512xi32, #tpu.memory_space<hbm>> -> memref<512xi32, #tpu.memory_space<hbm>>
      tpu.enqueue_dma source(%dma_start3A_19 : memref<512xi32, #tpu.memory_space<hbm>>) target(%arg6 : memref<512xi32, #tpu.memory_space<vmem>>) target_semaphore(%run_scoped3A_15 : memref<!tpu.dma_semaphore, #tpu.memory_space<semaphore_mem>>)
      %dma_wait3A_20 = tpu.memref_slice %arg4[%run_scoped3A, %mul3A_2] : memref<2x16384xi32, #tpu.memory_space<hbm>> -> memref<1x512xi32, #tpu.memory_space<hbm>>
      %dma_wait3A_21 = tpu.memref_squeeze %dma_wait3A_20 : memref<1x512xi32, #tpu.memory_space<hbm>> -> memref<512xi32, #tpu.memory_space<hbm>>
      %dma_wait3A_22 = tpu.memref_slice %arg4[%run_scoped3A, %mul3A_2] : memref<2x16384xi32, #tpu.memory_space<hbm>> -> memref<1x512xi32, #tpu.memory_space<hbm>>
      %dma_wait3A_23 = tpu.memref_squeeze %dma_wait3A_22 : memref<1x512xi32, #tpu.memory_space<hbm>> -> memref<512xi32, #tpu.memory_space<hbm>>
      tpu.wait_dma2 semaphore(%run_scoped3A_15 : memref<!tpu.dma_semaphore, #tpu.memory_space<semaphore_mem>>) src(%dma_wait3A_23 : memref<512xi32, #tpu.memory_space<hbm>>) dst(%arg6 : memref<512xi32, #tpu.memory_space<vmem>>)
      tpu.yield
    }) : () -> ()
    %run_scoped3A_3 = arith.constant 1 : i32
    "tpu.region"() ({
      %run_scoped3A_15 = tpu.sem_alloc : memref<!tpu.dma_semaphore, #tpu.memory_space<semaphore_mem>>
      %dma_start3A_16 = tpu.memref_slice %arg4[%run_scoped3A_3, %mul3A_2] : memref<2x16384xi32, #tpu.memory_space<hbm>> -> memref<1x512xi32, #tpu.memory_space<hbm>>
      %dma_start3A_17 = tpu.memref_squeeze %dma_start3A_16 : memref<1x512xi32, #tpu.memory_space<hbm>> -> memref<512xi32, #tpu.memory_space<hbm>>
      %dma_start3A_18 = tpu.memref_slice %arg4[%run_scoped3A_3, %mul3A_2] : memref<2x16384xi32, #tpu.memory_space<hbm>> -> memref<1x512xi32, #tpu.memory_space<hbm>>
      %dma_start3A_19 = tpu.memref_squeeze %dma_start3A_18 : memref<1x512xi32, #tpu.memory_space<hbm>> -> memref<512xi32, #tpu.memory_space<hbm>>
      tpu.enqueue_dma source(%dma_start3A_19 : memref<512xi32, #tpu.memory_space<hbm>>) target(%arg7 : memref<512xi32, #tpu.memory_space<vmem>>) target_semaphore(%run_scoped3A_15 : memref<!tpu.dma_semaphore, #tpu.memory_space<semaphore_mem>>)
      %dma_wait3A_20 = tpu.memref_slice %arg4[%run_scoped3A_3, %mul3A_2] : memref<2x16384xi32, #tpu.memory_space<hbm>> -> memref<1x512xi32, #tpu.memory_space<hbm>>
      %dma_wait3A_21 = tpu.memref_squeeze %dma_wait3A_20 : memref<1x512xi32, #tpu.memory_space<hbm>> -> memref<512xi32, #tpu.memory_space<hbm>>
      %dma_wait3A_22 = tpu.memref_slice %arg4[%run_scoped3A_3, %mul3A_2] : memref<2x16384xi32, #tpu.memory_space<hbm>> -> memref<1x512xi32, #tpu.memory_space<hbm>>
      %dma_wait3A_23 = tpu.memref_squeeze %dma_wait3A_22 : memref<1x512xi32, #tpu.memory_space<hbm>> -> memref<512xi32, #tpu.memory_space<hbm>>
      tpu.wait_dma2 semaphore(%run_scoped3A_15 : memref<!tpu.dma_semaphore, #tpu.memory_space<semaphore_mem>>) src(%dma_wait3A_23 : memref<512xi32, #tpu.memory_space<hbm>>) dst(%arg7 : memref<512xi32, #tpu.memory_space<vmem>>)
      tpu.yield
    }) : () -> ()
    %dma_start3A = arith.constant 0 : i32
    %dma_start3A_4 = tpu.memref_slice %arg2[%dma_start3A] : memref<4096xf32, #tpu.memory_space<hbm>> -> memref<4096xf32, #tpu.memory_space<hbm>>
    tpu.enqueue_indirect_dma source(%dma_start3A_4 : memref<4096xf32, #tpu.memory_space<hbm>>) target(%arg8 : memref<512xf32, #tpu.memory_space<vmem>>) offsets(%arg6 : memref<512xi32, #tpu.memory_space<vmem>>) semaphore(%arg11 : memref<!tpu.dma_semaphore, #tpu.memory_space<semaphore_mem>>)
    %dma_start3A_5 = arith.constant 0 : i32
    %dma_start3A_6 = tpu.memref_slice %arg3[%dma_start3A_5] : memref<4096xf32, #tpu.memory_space<hbm>> -> memref<4096xf32, #tpu.memory_space<hbm>>
    tpu.enqueue_indirect_dma source(%dma_start3A_6 : memref<4096xf32, #tpu.memory_space<hbm>>) target(%arg9 : memref<512xf32, #tpu.memory_space<vmem>>) offsets(%arg7 : memref<512xi32, #tpu.memory_space<vmem>>) semaphore(%arg12 : memref<!tpu.dma_semaphore, #tpu.memory_space<semaphore_mem>>)
    %dma_wait3A = arith.constant 0 : i32
    %dma_wait3A_7 = tpu.memref_slice %arg2[%dma_wait3A] : memref<4096xf32, #tpu.memory_space<hbm>> -> memref<4096xf32, #tpu.memory_space<hbm>>
    tpu.wait_indirect_dma semaphore(%arg11 : memref<!tpu.dma_semaphore, #tpu.memory_space<semaphore_mem>>) src(%dma_wait3A_7 : memref<4096xf32, #tpu.memory_space<hbm>>) dst(%arg8 : memref<512xf32, #tpu.memory_space<vmem>>)
    %dma_wait3A_8 = arith.constant 0 : i32
    %dma_wait3A_9 = tpu.memref_slice %arg3[%dma_wait3A_8] : memref<4096xf32, #tpu.memory_space<hbm>> -> memref<4096xf32, #tpu.memory_space<hbm>>
    tpu.wait_indirect_dma semaphore(%arg12 : memref<!tpu.dma_semaphore, #tpu.memory_space<semaphore_mem>>) src(%dma_wait3A_9 : memref<4096xf32, #tpu.memory_space<hbm>>) dst(%arg9 : memref<512xf32, #tpu.memory_space<vmem>>)
    %scan3A = arith.constant 0 : i32
    %scan3A_10 = arith.constant 0 : i32
    %scan3A_11 = arith.constant 32 : i32
    %scan3A_12 = arith.addi %scan3A_10, %scan3A_11 : i32
    %scan3A_13 = arith.constant 1 : i32
    scf.for %scan3A_15 = %scan3A_10 to %scan3A_12 step %scan3A_13  : i32 {
      %mul3A_16 = arith.constant 16 : i32
      %mul3A_17 = arith.muli %scan3A_15, %mul3A_16 : i32
      %get3A = arith.index_cast %mul3A_17 : i32 to index
      %get3A_18 = tpu.vector_load %arg8[%get3A] {strides = array<i32>} : memref<512xf32, #tpu.memory_space<vmem>>, vector<16xf32>,
      %get3A_19 = vector.shape_cast %get3A_18 : vector<16xf32> to vector<16xf32>
      %mul3A_20 = arith.constant 16 : i32
      %mul3A_21 = arith.muli %scan3A_15, %mul3A_20 : i32
      %get3A_22 = arith.index_cast %mul3A_21 : i32 to index
      %get3A_23 = tpu.vector_load %arg9[%get3A_22] {strides = array<i32>} : memref<512xf32, #tpu.memory_space<vmem>>, vector<16xf32>,
      %get3A_24 = vector.shape_cast %get3A_23 : vector<16xf32> to vector<16xf32>
      %add3A_25 = arith.addf %get3A_19, %get3A_24 : vector<16xf32>
      %neg3A = arith.constant 0.000000e+00 : f32
      %neg3A_26 = vector.broadcast %neg3A : f32 to vector<16xf32>
      %neg3A_27 = arith.subf %neg3A_26, %add3A_25 : vector<16xf32>
      %exp3A = math.exp %neg3A_27 : vector<16xf32>
      %add3A_28 = arith.constant 1.000000e+00 : f32
      %add3A_29 = vector.broadcast %add3A_28 : f32 to vector<16xf32>
      %add3A_30 = arith.addf %add3A_29, %exp3A : vector<16xf32>
      %div3A = arith.constant 1.000000e+00 : f32
      %div3A_31 = vector.broadcast %div3A : f32 to vector<16xf32>
      %div3A_32 = arith.divf %div3A_31, %add3A_30 : vector<16xf32>
      %mul3A_33 = arith.constant 16 : i32
      %mul3A_34 = arith.muli %scan3A_15, %mul3A_33 : i32
      %swap3A = arith.index_cast %mul3A_34 : i32 to index
      %swap3A_35 = tpu.vector_load %arg10[%swap3A] {strides = array<i32>} : memref<512xf32, #tpu.memory_space<vmem>>, vector<16xf32>,
      %swap3A_36 = vector.shape_cast %swap3A_35 : vector<16xf32> to vector<16xf32>
      %swap3A_37 = vector.shape_cast %div3A_32 : vector<16xf32> to vector<16xf32>
      tpu.vector_store %arg10[%swap3A], %swap3A_37 {strides = array<i32>} : memref<512xf32, #tpu.memory_space<vmem>>, vector<16xf32>,
    }
    %scan3A_14 = arith.constant 32 : i32
    "tpu.region"() ({
      %run_scoped3A_15 = tpu.sem_alloc : memref<!tpu.dma_semaphore, #tpu.memory_space<semaphore_mem>>
      %dma_start3A_16 = tpu.memref_slice %arg5[%mul3A_2] : memref<16384xf32, #tpu.memory_space<hbm>> -> memref<512xf32, #tpu.memory_space<hbm>>
      %dma_start3A_17 = tpu.memref_slice %arg5[%mul3A_2] : memref<16384xf32, #tpu.memory_space<hbm>> -> memref<512xf32, #tpu.memory_space<hbm>>
      tpu.enqueue_dma source(%arg10 : memref<512xf32, #tpu.memory_space<vmem>>) target(%dma_start3A_17 : memref<512xf32, #tpu.memory_space<hbm>>) target_semaphore(%run_scoped3A_15 : memref<!tpu.dma_semaphore, #tpu.memory_space<semaphore_mem>>)
      %dma_wait3A_18 = tpu.memref_slice %arg5[%mul3A_2] : memref<16384xf32, #tpu.memory_space<hbm>> -> memref<512xf32, #tpu.memory_space<hbm>>
      %dma_wait3A_19 = tpu.memref_slice %arg5[%mul3A_2] : memref<16384xf32, #tpu.memory_space<hbm>> -> memref<512xf32, #tpu.memory_space<hbm>>
      tpu.wait_dma2 semaphore(%run_scoped3A_15 : memref<!tpu.dma_semaphore, #tpu.memory_space<semaphore_mem>>) src(%arg10 : memref<512xf32, #tpu.memory_space<vmem>>) dst(%dma_wait3A_19 : memref<512xf32, #tpu.memory_space<hbm>>)
      tpu.yield
    }) : () -> ()
    return
  }
}

module attributes {stable_mosaic.version = 14 : i64} {
  func.func @_matmul_kernel(%arg0: i32, %arg1: memref<256x4096xf32, #tpu.memory_space<vmem>>, %arg2: memref<4096x128xf32, #tpu.memory_space<vmem>>, %arg3: memref<256x128xf32, #tpu.memory_space<vmem>>) attributes {dimension_semantics = [#tpu.dimension_semantics<arbitrary>], iteration_bounds = array<i64: 16>, scalar_prefetch = 0 : i64, scratch_operands = 0 : i64, tpu.core_type = #tpu.core_type<tc>, window_params = [{transform_indices = @transform_0, window_bounds = array<i64: 256, 4096>}, {pipeline_mode = #tpu.pipeline_mode<synchronous>, transform_indices = @transform_1, window_bounds = array<i64: 4096, 128>}, {transform_indices = @transform_2, window_bounds = array<i64: 256, 128>}]} {
    %get3A = arith.constant 0 : index
    %get3A_0 = arith.constant 0 : index
    %get3A_1 = vector.load %arg1[%get3A, %get3A_0] : memref<256x4096xf32, #tpu.memory_space<vmem>>, vector<256x4096xf32>
    %get3A_2 = arith.constant 0 : index
    %get3A_3 = arith.constant 0 : index
    %get3A_4 = vector.load %arg2[%get3A_2, %get3A_3] : memref<4096x128xf32, #tpu.memory_space<vmem>>, vector<4096x128xf32>
    %dot_general3A = arith.constant dense<0.000000e+00> : vector<256x128xf32>
    %dot_general3A_5 = tpu.matmul %get3A_1, %get3A_4, %dot_general3A {dimension_numbers = #tpu.dot_dimension_numbers<[1], [0], [0], [1], [0, 0, 1, 1], [], []>, transpose_lhs_hint = false} : vector<256x4096xf32>, vector<4096x128xf32>, vector<256x128xf32> -> vector<256x128xf32>
    %swap3A = arith.constant 0 : index
    %swap3A_6 = arith.constant 0 : index
    %swap3A_7 = vector.load %arg3[%swap3A, %swap3A_6] : memref<256x128xf32, #tpu.memory_space<vmem>>, vector<256x128xf32>
    tpu.vector_store %arg3[%swap3A, %swap3A_6], %dot_general3A_5 {strides = array<i32>} : memref<256x128xf32, #tpu.memory_space<vmem>>, vector<256x128xf32>,
    return
  }
  func.func @transform_0(%arg0: i32) -> (i32, i32) {
    %c0_i32 = arith.constant 0 : i32
    %c0_i32_0 = arith.constant 0 : i32
    return %arg0, %c0_i32 : i32, i32
  }
  func.func @transform_1(%arg0: i32) -> (i32, i32) {
    %c0_i32 = arith.constant 0 : i32
    %c0_i32_0 = arith.constant 0 : i32
    %c0_i32_1 = arith.constant 0 : i32
    return %c0_i32, %c0_i32_0 : i32, i32
  }
  func.func @transform_2(%arg0: i32) -> (i32, i32) {
    %c0_i32 = arith.constant 0 : i32
    %c0_i32_0 = arith.constant 0 : i32
    return %arg0, %c0_i32 : i32, i32
  }
}

module attributes {stable_mosaic.version = 14 : i64} {
  func.func @_prescale_kernel(%arg0: i32, %arg1: i32, %arg2: memref<1024x128xf32, #tpu.memory_space<vmem>>, %arg3: memref<8x128xf32, #tpu.memory_space<vmem>>, %arg4: memref<1024x128xf32, #tpu.memory_space<vmem>>) attributes {dimension_semantics = [#tpu.dimension_semantics<arbitrary>, #tpu.dimension_semantics<arbitrary>], iteration_bounds = array<i64: 8, 8>, scalar_prefetch = 0 : i64, scratch_operands = 0 : i64, tpu.core_type = #tpu.core_type<tc>, window_params = [{transform_indices = @transform_0, window_bounds = array<i64: 1024, 128>}, {pipeline_mode = #tpu.pipeline_mode<synchronous>, transform_indices = @transform_1, window_bounds = array<i64: 8, 128>}, {transform_indices = @transform_2, window_bounds = array<i64: 1024, 128>}]} {
    %get3A = arith.constant 0 : index
    %get3A_0 = arith.constant 0 : index
    %get3A_1 = vector.load %arg2[%get3A, %get3A_0] : memref<1024x128xf32, #tpu.memory_space<vmem>>, vector<1024x128xf32>
    %get3A_2 = arith.index_cast %arg0 : i32 to index
    %get3A_3 = arith.constant 0 : index
    %get3A_4 = vector.load %arg3[%get3A_2, %get3A_3] : memref<8x128xf32, #tpu.memory_space<vmem>>, vector<1x128xf32>
    %mul3A = vector.broadcast %get3A_4 : vector<1x128xf32> to vector<1024x128xf32>
    %mul3A_5 = arith.mulf %get3A_1, %mul3A : vector<1024x128xf32>
    %swap3A = arith.constant 0 : index
    %swap3A_6 = arith.constant 0 : index
    %swap3A_7 = vector.load %arg4[%swap3A, %swap3A_6] : memref<1024x128xf32, #tpu.memory_space<vmem>>, vector<1024x128xf32>
    tpu.vector_store %arg4[%swap3A, %swap3A_6], %mul3A_5 {strides = array<i32>} : memref<1024x128xf32, #tpu.memory_space<vmem>>, vector<1024x128xf32>,
    return
  }
  func.func @transform_0(%arg0: i32, %arg1: i32) -> (i32, i32) {
    %c0_i32 = arith.constant 0 : i32
    %c0_i32_0 = arith.constant 0 : i32
    return %arg1, %c0_i32 : i32, i32
  }
  func.func @transform_1(%arg0: i32, %arg1: i32) -> (i32, i32) {
    %c0_i32 = arith.constant 0 : i32
    %c0_i32_0 = arith.constant 0 : i32
    %c0_i32_1 = arith.constant 0 : i32
    return %c0_i32, %c0_i32_0 : i32, i32
  }
  func.func @transform_2(%arg0: i32, %arg1: i32) -> (i32, i32) {
    %mul3A = arith.constant 8 : i32
    %mul3A_0 = arith.muli %arg0, %mul3A : i32
    %add3A = arith.addi %mul3A_0, %arg1 : i32
    %c0_i32 = arith.constant 0 : i32
    %c0_i32_1 = arith.constant 0 : i32
    return %add3A, %c0_i32 : i32, i32
  }
}

module attributes {stable_mosaic.version = 14 : i64} {
  func.func @_prescale_kernel(%arg0: i32, %arg1: i32, %arg2: memref<1024x128xf32, #tpu.memory_space<vmem>>, %arg3: memref<4x128xf32, #tpu.memory_space<vmem>>, %arg4: memref<1024x128xf32, #tpu.memory_space<vmem>>) attributes {dimension_semantics = [#tpu.dimension_semantics<arbitrary>, #tpu.dimension_semantics<arbitrary>], iteration_bounds = array<i64: 4, 8>, scalar_prefetch = 0 : i64, scratch_operands = 0 : i64, tpu.core_type = #tpu.core_type<tc>, window_params = [{transform_indices = @transform_0, window_bounds = array<i64: 1024, 128>}, {pipeline_mode = #tpu.pipeline_mode<synchronous>, transform_indices = @transform_1, window_bounds = array<i64: 4, 128>}, {transform_indices = @transform_2, window_bounds = array<i64: 1024, 128>}]} {
    %get3A = arith.constant 0 : index
    %get3A_0 = arith.constant 0 : index
    %get3A_1 = vector.load %arg2[%get3A, %get3A_0] : memref<1024x128xf32, #tpu.memory_space<vmem>>, vector<1024x128xf32>
    %get3A_2 = arith.index_cast %arg0 : i32 to index
    %get3A_3 = arith.constant 0 : index
    %get3A_4 = vector.load %arg3[%get3A_2, %get3A_3] : memref<4x128xf32, #tpu.memory_space<vmem>>, vector<1x128xf32>
    %mul3A = vector.broadcast %get3A_4 : vector<1x128xf32> to vector<1024x128xf32>
    %mul3A_5 = arith.mulf %get3A_1, %mul3A : vector<1024x128xf32>
    %swap3A = arith.constant 0 : index
    %swap3A_6 = arith.constant 0 : index
    %swap3A_7 = vector.load %arg4[%swap3A, %swap3A_6] : memref<1024x128xf32, #tpu.memory_space<vmem>>, vector<1024x128xf32>
    tpu.vector_store %arg4[%swap3A, %swap3A_6], %mul3A_5 {strides = array<i32>} : memref<1024x128xf32, #tpu.memory_space<vmem>>, vector<1024x128xf32>,
    return
  }
  func.func @transform_0(%arg0: i32, %arg1: i32) -> (i32, i32) {
    %c0_i32 = arith.constant 0 : i32
    %c0_i32_0 = arith.constant 0 : i32
    return %arg1, %c0_i32 : i32, i32
  }
  func.func @transform_1(%arg0: i32, %arg1: i32) -> (i32, i32) {
    %c0_i32 = arith.constant 0 : i32
    %c0_i32_0 = arith.constant 0 : i32
    %c0_i32_1 = arith.constant 0 : i32
    return %c0_i32, %c0_i32_0 : i32, i32
  }
  func.func @transform_2(%arg0: i32, %arg1: i32) -> (i32, i32) {
    %mul3A = arith.constant 8 : i32
    %mul3A_0 = arith.muli %arg0, %mul3A : i32
    %add3A = arith.addi %mul3A_0, %arg1 : i32
    %c0_i32 = arith.constant 0 : i32
    %c0_i32_1 = arith.constant 0 : i32
    return %add3A, %c0_i32 : i32, i32
  }
}

module attributes {stable_mosaic.version = 14 : i64} {
  func.func @_fc_kernel(%arg0: i32, %arg1: memref<1024x128xf32, #tpu.memory_space<vmem>>, %arg2: memref<128x128xf32, #tpu.memory_space<vmem>>, %arg3: memref<1024x128xf32, #tpu.memory_space<vmem>>, %arg4: memref<1024x128xf32, #tpu.memory_space<vmem>>) attributes {dimension_semantics = [#tpu.dimension_semantics<arbitrary>], iteration_bounds = array<i64: 8>, scalar_prefetch = 0 : i64, scratch_operands = 0 : i64, tpu.core_type = #tpu.core_type<tc>, window_params = [{transform_indices = @transform_0, window_bounds = array<i64: 1024, 128>}, {pipeline_mode = #tpu.pipeline_mode<synchronous>, transform_indices = @transform_1, window_bounds = array<i64: 128, 128>}, {transform_indices = @transform_2, window_bounds = array<i64: 1024, 128>}, {transform_indices = @transform_3, window_bounds = array<i64: 1024, 128>}]} {
    %get3A = arith.constant 0 : index
    %get3A_0 = arith.constant 0 : index
    %get3A_1 = vector.load %arg1[%get3A, %get3A_0] : memref<1024x128xf32, #tpu.memory_space<vmem>>, vector<1024x128xf32>
    %get3A_2 = arith.constant 0 : index
    %get3A_3 = arith.constant 0 : index
    %get3A_4 = vector.load %arg2[%get3A_2, %get3A_3] : memref<128x128xf32, #tpu.memory_space<vmem>>, vector<128x128xf32>
    %dot_general3A = arith.constant dense<0.000000e+00> : vector<1024x128xf32>
    %dot_general3A_5 = tpu.matmul %get3A_1, %get3A_4, %dot_general3A {dimension_numbers = #tpu.dot_dimension_numbers<[1], [0], [0], [1], [0, 0, 1, 1], [], []>, transpose_lhs_hint = false} : vector<1024x128xf32>, vector<128x128xf32>, vector<1024x128xf32> -> vector<1024x128xf32>
    %get3A_6 = arith.constant 0 : index
    %get3A_7 = arith.constant 0 : index
    %get3A_8 = vector.load %arg3[%get3A_6, %get3A_7] : memref<1024x128xf32, #tpu.memory_space<vmem>>, vector<1024x128xf32>
    %mul3A = arith.constant 1.000000e-01 : f32
    %mul3A_9 = vector.broadcast %mul3A : f32 to vector<1024x128xf32>
    %mul3A_10 = arith.mulf %mul3A_9, %get3A_8 : vector<1024x128xf32>
    %max3A = arith.constant 0.000000e+00 : f32
    %max3A_11 = vector.broadcast %max3A : f32 to vector<1024x128xf32>
    %max3A_12 = arith.maximumf %dot_general3A_5, %max3A_11 : vector<1024x128xf32>
    %add3A = arith.addf %mul3A_10, %max3A_12 : vector<1024x128xf32>
    %swap3A = arith.constant 0 : index
    %swap3A_13 = arith.constant 0 : index
    %swap3A_14 = vector.load %arg4[%swap3A, %swap3A_13] : memref<1024x128xf32, #tpu.memory_space<vmem>>, vector<1024x128xf32>
    tpu.vector_store %arg4[%swap3A, %swap3A_13], %add3A {strides = array<i32>} : memref<1024x128xf32, #tpu.memory_space<vmem>>, vector<1024x128xf32>,
    return
  }
  func.func @transform_0(%arg0: i32) -> (i32, i32) {
    %c0_i32 = arith.constant 0 : i32
    %c0_i32_0 = arith.constant 0 : i32
    return %arg0, %c0_i32 : i32, i32
  }
  func.func @transform_1(%arg0: i32) -> (i32, i32) {
    %c0_i32 = arith.constant 0 : i32
    %c0_i32_0 = arith.constant 0 : i32
    %c0_i32_1 = arith.constant 0 : i32
    return %c0_i32, %c0_i32_0 : i32, i32
  }
  func.func @transform_2(%arg0: i32) -> (i32, i32) {
    %c0_i32 = arith.constant 0 : i32
    %c0_i32_0 = arith.constant 0 : i32
    return %arg0, %c0_i32 : i32, i32
  }
  func.func @transform_3(%arg0: i32) -> (i32, i32) {
    %c0_i32 = arith.constant 0 : i32
    %c0_i32_0 = arith.constant 0 : i32
    return %arg0, %c0_i32 : i32, i32
  }
}

module attributes {stable_mosaic.version = 14 : i64} {
  func.func @_score_kernel(%arg0: memref<8192x128xf32, #tpu.memory_space<vmem>>, %arg1: memref<8192x128xf32, #tpu.memory_space<vmem>>, %arg2: memref<4x128xf32, #tpu.memory_space<vmem>>, %arg3: memref<1xf32, #tpu.memory_space<smem>>, %arg4: memref<2x4096xf32, #tpu.memory_space<vmem>>) attributes {dimension_semantics = [], scalar_prefetch = 0 : i64, scratch_operands = 0 : i64, tpu.core_type = #tpu.core_type<tc>} {
    %get3A = arith.constant 0 : index
    %get3A_0 = arith.constant 0 : index
    %get3A_1 = vector.load %arg2[%get3A, %get3A_0] : memref<4x128xf32, #tpu.memory_space<vmem>>, vector<4x128xf32>
    %get3A_2 = arith.constant 0 : index
    %get3A_3 = arith.constant 0 : index
    %get3A_4 = vector.load %arg0[%get3A_2, %get3A_3] : memref<8192x128xf32, #tpu.memory_space<vmem>>, vector<8192x128xf32>
    %dot_general3A = arith.constant dense<0.000000e+00> : vector<4x8192xf32>
    %dot_general3A_5 = tpu.matmul %get3A_1, %get3A_4, %dot_general3A {dimension_numbers = #tpu.dot_dimension_numbers<[1], [1], [0], [0], [0, 0, 1, 0], [], []>, transpose_lhs_hint = false} : vector<4x128xf32>, vector<8192x128xf32>, vector<4x8192xf32> -> vector<4x8192xf32>
    %get3A_6 = arith.constant 0 : index
    %get3A_7 = arith.constant 0 : index
    %get3A_8 = vector.load %arg2[%get3A_6, %get3A_7] : memref<4x128xf32, #tpu.memory_space<vmem>>, vector<4x128xf32>
    %get3A_9 = arith.constant 0 : index
    %get3A_10 = arith.constant 0 : index
    %get3A_11 = vector.load %arg1[%get3A_9, %get3A_10] : memref<8192x128xf32, #tpu.memory_space<vmem>>, vector<8192x128xf32>
    %dot_general3A_12 = arith.constant dense<0.000000e+00> : vector<4x8192xf32>
    %dot_general3A_13 = tpu.matmul %get3A_8, %get3A_11, %dot_general3A_12 {dimension_numbers = #tpu.dot_dimension_numbers<[1], [1], [0], [0], [0, 0, 1, 0], [], []>, transpose_lhs_hint = false} : vector<4x128xf32>, vector<8192x128xf32>, vector<4x8192xf32> -> vector<4x8192xf32>
    %get3A_14 = arith.constant 0 : index
    %get3A_15 = memref.load %arg3[%get3A_14] : memref<1xf32, #tpu.memory_space<smem>>
    %slice3A = vector.extract_strided_slice %dot_general3A_5 {offsets = [0, 0], sizes = [1, 4096], strides = [1, 1]} : vector<4x8192xf32> to vector<1x4096xf32>
    %slice3A_16 = vector.extract_strided_slice %dot_general3A_13 {offsets = [1, 0], sizes = [1, 4096], strides = [1, 1]} : vector<4x8192xf32> to vector<1x4096xf32>
    %add3A = arith.addf %slice3A, %slice3A_16 : vector<1x4096xf32>
    %add3A_17 = vector.broadcast %get3A_15 : f32 to vector<1x4096xf32>
    %add3A_18 = arith.addf %add3A, %add3A_17 : vector<1x4096xf32>
    %swap3A = arith.constant 0 : index
    %swap3A_19 = arith.constant 0 : index
    %swap3A_20 = vector.load %arg4[%swap3A, %swap3A_19] : memref<2x4096xf32, #tpu.memory_space<vmem>>, vector<1x4096xf32>
    tpu.vector_store %arg4[%swap3A, %swap3A_19], %add3A_18 {strides = array<i32>} : memref<2x4096xf32, #tpu.memory_space<vmem>>, vector<1x4096xf32>,
    %slice3A_21 = vector.extract_strided_slice %dot_general3A_5 {offsets = [2, 4096], sizes = [1, 4096], strides = [1, 1]} : vector<4x8192xf32> to vector<1x4096xf32>
    %slice3A_22 = vector.extract_strided_slice %dot_general3A_13 {offsets = [3, 4096], sizes = [1, 4096], strides = [1, 1]} : vector<4x8192xf32> to vector<1x4096xf32>
    %add3A_23 = arith.addf %slice3A_21, %slice3A_22 : vector<1x4096xf32>
    %add3A_24 = vector.broadcast %get3A_15 : f32 to vector<1x4096xf32>
    %add3A_25 = arith.addf %add3A_23, %add3A_24 : vector<1x4096xf32>
    %swap3A_26 = arith.constant 1 : index
    %swap3A_27 = arith.constant 0 : index
    %swap3A_28 = vector.load %arg4[%swap3A_26, %swap3A_27] : memref<2x4096xf32, #tpu.memory_space<vmem>>, vector<1x4096xf32>
    tpu.vector_store %arg4[%swap3A_26, %swap3A_27], %add3A_25 {strides = array<i32>} : memref<2x4096xf32, #tpu.memory_space<vmem>>, vector<1x4096xf32>,
    return
  }
}

</mosaic_0001>

<sc_bundles>
// kernel: kernel.18.cloned.1.call-start
scs
__scs_entry_jumppad:
0x0: {  	(pc) =	sbr.rel $0x88, $3  }
0x1: {  	(tag) =	ssettag $0x0;
	lr =	simm.s32 $0x1  }
0x2: {  	[smem:$0x3F90] =	sst lr;
	_ =	strace $0xD0000000  }
0x3: {  	_ = 	snop  }
0x4: {  	_ = 	snop  }
0x5: {  	_ = 	snop  }
0x6: {  	_ = 	snop  }
0x7: {  	_ = 	snop  }
__scs_overlays_trampoline_lowered:
0x8: {  	[smem:$0x3F9F] =	sst s0  }
0x9: {  	[smem:$0x3FA0] =	sst s1  }
0xa: {  	[smem:$0x3FA1] =	sst s2  }
0xb: {  	[smem:$0x3FA2] =	sst s3  }
0xc: {  	[smem:$0x3FA3] =	sst s4  }
0xd: {  	[smem:$0x3FA4] =	sst s5  }
0xe: {  	[smem:$0x3FA5] =	sst s6  }
0xf: {  	[smem:$0x3FA6] =	sst s7  }
0x10: {  	[smem:$0x3FA7] =	sst s8  }
0x11: {  	[smem:$0x3FA8] =	sst s9;
	s0 =	simm.s32 @!p0 $0x0  }
0x12: {  	s1 =	sld [smem:$0x3F8E];
	s0 =	simm.s32 @p0 $0x1  }
0x13: {  	[smem:$0x3FA9] =	sst s0;
	s0 =	simm.s32 @!p1 $0x0  }
0x14: {  	s2 =	sld [smem:$0x3F8D];
	s0 =	simm.s32 @p1 $0x1  }
0x15: {  	[smem:$0x3FAA] =	sst s0;
	s0 =	simm.s32 @!p2 $0x0  }
0x16: {  	s3 =	sld [smem:$0x3FDB];
	s0 =	simm.s32 @p2 $0x1  }
0x17: {  	s4 =	simm.s32 $0x1BF5;
	[smem:$0x3FAC] =	sst s0  }
0x18: {  	s0 =	sld [smem:$0x3F8F];
	_ =	swait.ge [sflag:s4], $0x0  }
0x19: {  	s7 =	sld [smem:$0x3F90]  }
0x1a: {  	s8 =	sadd.s32 $0xFFFFE003, lr  }
0x1b: {  	s9 =	sadd.s32 $0xFFFFFEF7, lr;
	s5 =	simm.s32 $0xFFFFFFFF;
	p2 =	slt.u32 s8, $0xFFFFF086  }
0x1c: {  	p1 =	slt.u32 s9, $0xF7A;
	s5 =	simm.s32 @!p2 $0x0  }
0x1d: {  	s5 =	simm.s32 @p1 $0x1;
	p0 =	seq.s32 s7, s2  }
0x1e: {  	s7 =	smul.u32 @!p0 $0xF7A, s2;
	p2 =	seq.s32 @!p0 s5, $0x0  }
0x1f: {  	s9 =	smul.u32 $0xF7A, s1;
	s8 =	simm.s32 @!p0 $0x1BF5;
	p2 =	por !p2, p0  }
0x20: {  	[sflag:s8] =	ssyncset.s32 @!p0 $0xFFFFF086;
	s6 =	sadd.s32 @!p0 s3, s7;
	s7 =	simm.s32 @!p0 $0x108  }
0x21: {  	s3 =	sadd.s32 s3, s9;
	s6 =	sadd.s32 @!p0 $0x88, s6;
	s7 =	simm.s32 @p2 $0x1082  }
0x22: {  	[simem:s7], [sflag:s8] =	dma.local @!p0 [hbm:s6], $0xF7A  }
0x23: {  	s9 =	sor.u32 $0xD0000000, s2;
	s6 =	simm.s32 $0x108;
	_ =	swait.ge @!p0 [sflag:s8], $0x0  }
0x24: {  	s3 =	sadd.s32 $0x88, s3;
	s6 =	simm.s32 @!p1 $0x1082;
	[sflag:s4] =	ssyncset.s32 $0xFFFFF086  }
0x25: {  	[simem:s6], [sflag:s4] =	dma.local [hbm:s3], $0xF7A  }
0x26: {  	[smem:$0x3F90] =	sst s1;
	(tag) =	ssettag s2;
	_ =	strace s9  }
0x27: {  	s1 =	sld [smem:$0x3FA0]  }
0x28: {  	s2 =	sld [smem:$0x3FA1]  }
0x29: {  	s4 =	sld [smem:$0x3FA3]  }
0x2a: {  	p0 =	seq.s32 s5, $0x0;
	s5 =	sld [smem:$0x3FA4]  }
0x2b: {  	s6 =	sld [smem:$0x3FA5]  }
0x2c: {  	s7 =	sld [smem:$0x3FA6]  }
0x2d: {  	s3 =	simm.s32 $0x108;
	s8 =	sld [smem:$0x3FA7]  }
0x2e: {  	s3 =	simm.s32 @!p0 $0x1082;
	s9 =	sld [smem:$0x3FA8]  }
0x2f: {  	lr =	sadd.s32 s0, s3;
	s0 =	sld [smem:$0x3F9F]  }
0x30: {  	s3 =	sld [smem:$0x3FA2]  }
0x31: {  	[smem:$0x3FAB] =	sst s10  }
0x32: {  	s10 =	sld [smem:$0x3FA9];
	_ =	sdelay $0x3  }
0x33: {  	p0 =	seq.s32 s10, $0x1;
	s10 =	sld [smem:$0x3FAB];
	_ =	sdelay $0x3  }
0x34: {  	[smem:$0x3FAB] =	sst s10  }
0x35: {  	s10 =	sld [smem:$0x3FAA];
	_ =	sdelay $0x3  }
0x36: {  	p1 =	seq.s32 s10, $0x1;
	s10 =	sld [smem:$0x3FAB];
	_ =	sdelay $0x3  }
0x37: {  	[smem:$0x3FAB] =	sst s10  }
0x38: {  	s10 =	sld [smem:$0x3FAC]  }
0x39: {  	_ = 	snop;
	(pc) =	sbr.ind lr, $3  }
0x3a: {  	_ = 	snop  }
0x3b: {  	_ = 	snop  }
0x3c: {  	p2 =	seq.s32 s10, $0x1;
	s10 =	sld [smem:$0x3FAB]  }
0x3d: {  	_ =	shalt  }
0x3e: {  	_ =	shalt  }
0x3f: {  	_ =	shalt  }
0x40: {  	_ =	shalt  }
0x41: {  	_ =	shalt  }
0x42: {  	_ =	shalt  }
0x43: {  	_ =	shalt  }
0x44: {  	_ =	shalt  }
0x45: {  	_ =	shalt  }
0x46: {  	_ =	shalt  }
0x47: {  	_ =	shalt  }
0x48: {  	_ =	shalt  }
0x49: {  	_ =	shalt  }
0x4a: {  	_ =	shalt  }
0x4b: {  	_ =	shalt  }
0x4c: {  	_ =	shalt  }
0x4d: {  	_ =	shalt  }
0x4e: {  	_ =	shalt  }
0x4f: {  	_ =	shalt  }
0x50: {  	_ =	shalt  }
0x51: {  	_ =	shalt  }
0x52: {  	_ =	shalt  }
0x53: {  	_ =	shalt  }
0x54: {  	_ =	shalt  }
0x55: {  	_ =	shalt  }
0x56: {  	_ =	shalt  }
0x57: {  	_ =	shalt  }
0x58: {  	_ =	shalt  }
0x59: {  	_ =	shalt  }
0x5a: {  	_ =	shalt  }
0x5b: {  	_ =	shalt  }
0x5c: {  	_ =	shalt  }
0x5d: {  	_ =	shalt  }
0x5e: {  	_ =	shalt  }
0x5f: {  	_ =	shalt  }
0x60: {  	_ =	shalt  }
0x61: {  	_ =	shalt  }
0x62: {  	_ =	shalt  }
0x63: {  	_ =	shalt  }
0x64: {  	_ =	shalt  }
0x65: {  	_ =	shalt  }
0x66: {  	_ =	shalt  }
0x67: {  	_ =	shalt  }
0x68: {  	_ =	shalt  }
0x69: {  	_ =	shalt  }
0x6a: {  	_ =	shalt  }
0x6b: {  	_ =	shalt  }
0x6c: {  	_ =	shalt  }
0x6d: {  	_ =	shalt  }
0x6e: {  	_ =	shalt  }
0x6f: {  	_ =	shalt  }
0x70: {  	_ =	shalt  }
0x71: {  	_ =	shalt  }
0x72: {  	_ =	shalt  }
0x73: {  	_ =	shalt  }
0x74: {  	_ =	shalt  }
0x75: {  	_ =	shalt  }
0x76: {  	_ =	shalt  }
0x77: {  	_ =	shalt  }
0x78: {  	_ =	shalt  }
0x79: {  	_ =	shalt  }
0x7a: {  	_ =	shalt  }
0x7b: {  	_ =	shalt  }
0x7c: {  	_ =	shalt  }
0x7d: {  	_ =	shalt  }
0x7e: {  	_ =	shalt  }
0x7f: {  	_ =	shalt  }
0x80: {  	_ =	shalt  }
0x81: {  	_ =	shalt  }
0x82: {  	_ =	shalt  }
0x83: {  	_ =	shalt  }
0x84: {  	_ =	shalt  }
0x85: {  	_ =	shalt  }
0x86: {  	_ =	shalt  }
0x87: {  	_ =	shalt  }
.Lfunc_end0:
.L_simem_size_0:
called_computation_lowered:
.L_overlay_start_0:
0x88: {  	s2 =	sld [smem:$0x3FD9]  }
0x89: {  	s3 =	sld [smem:$0x3FFE];
	_ =	sdelay $0x1  }
0x8a: {  	s1 =	srdreg.scid  }
0x8b: {  	s0 =	sand.u32 $0x1, s1  }
0x8c: {  	s17 =	sshll.u32 s0, $0xA;
	s2 =	sadd.s32 s3, s2  }
0x8d: {  	s2 =	sadd.s32 s2, s17  }
0x8e: {  	[smem:$0x3FB7] =	sst s2  }
0x8f: {  	_ = 	snop  }
0x90: {  	(tm) =	ssettm $0x1  }
0x91: {  	s18 =	sld [smem:$0x3FFB];
	_ =	sdelay $0x3  }
0x92: {  	_ =	strace s18  }
0x93: {  	s2 =	sld [smem:$0x3FFC];
	_ =	sdelay $0x3  }
0x94: {  	_ =	strace s2  }
0x95: {  	s2 =	sld [smem:$0x3FFD];
	_ =	sdelay $0x3  }
0x96: {  	_ =	strace s2  }
0x97: {  	_ =	strace $0x8FFFFFFF  }
0x98: {  	s19 =	sld [smem:$0x3FDB];
	_ =	sdelay $0x1  }
0x99: {  	s20 =	simm.s32 $_scs_section_size  }
0x9a: {  	s4 =	simm.s32 $_size__tile_overlayer_lowered;
	s5 =	simm.s32 $_tile_overlayer_lowered  }
0x9b: {  	s6 =	simm.s32 $0x1BFF;
	s21 =	sshll.u32 s5, $0x1;
	s3 =	sadd.s32 s20, s19  }
0x9c: {  	s22 =	simm.s32 $0x0;
	s4 =	sshll.u32 s4, $0x1;
	s5 =	sadd.s32 s21, s3  }
0x9d: {  	[timem:s22], [sflag:s6] =	dma.local [hbm:s5], s4  }
0x9e: {  	_ =	swait.ge [sflag:s6], s4  }
0x9f: {  	s4 =	ssub.s32 $0x0, s4;
	[sflag:s6] =	ssyncset.done $0x0  }
0xa0: {  	[sflag:s6] =	ssyncadd.s32 s4;
	_ =	sdelay $0x1  }
0xa1: {  	s23 =	simm.s32 $0x1B8B  }
0xa2: {  	_ =	swait.ge [sflag:s23], $0x1  }
0xa3: {  	[sflag:s23] =	ssyncset.done $0x0  }
0xa4: {  	[sflag:s23] =	ssyncadd.s32 $0xFFFFFFFF  }
0xa5: {  	s4 =	sld [smem:$0x0]  }
0xa6: {  	s5 =	sand.u32 $0xFFFFFFFE, s1  }
0xa7: {  	p0 =	sne.s32 s1, s5  }
0xa8: {  	s5 =	sshll.u32 @p0 s5, $0xE  }
0xa9: {  	s5 =	sadd.s32 @p0 $0x11B8D, s5;
	s6 =	sshll.u32 @p0 s4, $0x11  }
0xaa: {  	s5 =	sor.u32 @p0 s6, s5  }
0xab: {  	[sflag:s5] =	ssyncadd.remote.s32 @p0 $0x1;
	_ =	sdelay $0x1  }
0xac: {  	s5 =	simm.s32 @p0 $0x1B8D  }
0xad: {  	_ =	swait.eq @p0 [sflag:s5], $0x1  }
0xae: {  	[sflag:s5] =	ssyncadd.s32 @p0 $0xFFFFFFFF  }
0xaf: {  	s6 =	sshll.u32 @!p0 s1, $0xE  }
0xb0: {  	s6 =	sor.u32 @!p0 $0x4000, s6;
	s5 =	simm.s32 @!p0 $0x1B8D  }
0xb1: {  	s4 =	sshll.u32 @!p0 s4, $0x11;
	s6 =	sadd.s32 @!p0 $0x11B8D, s6;
	_ =	swait.eq @!p0 [sflag:s5], $0x1  }
0xb2: {  	s4 =	sor.u32 @!p0 s4, s6;
	[sflag:s5] =	ssyncadd.s32 @!p0 $0xFFFFFFFF  }
0xb3: {  	s25 =	simm.s32 $0x1B8E;
	s24 =	sld [smem:$0x3FFE];
	[sflag:s4] =	ssyncadd.remote.s32 @!p0 $0x1  }
0xb4: {  	s26 =	simm.s32 $execute0_lowered;
	[smem:$0x3FD2] =	sst s25  }
0xb5: {  	s5 =	sshll.u32 s26, $0x1;
	_ =	strace $0x80000049;
	[dreg:$0x1] =	wrdreg $0xFFFFFFFF  }
0xb6: {  	s28 =	simm.s32 $_size_execute0_lowered;
	s3 =	sadd.s32 s3, s5;
	[dreg:$0x0] =	wrdreg $0x0  }
0xb7: {  	s5 =	sshll.u32 s28, $0x1;
	[dreg:$0x2] =	wrdreg s3  }
0xb8: {  	[dreg:$0x3] =	wrdreg s5  }
0xb9: {  	[dreg:$0x4] =	wrdreg $0xC0  }
0xba: {  	_ =	task [dreg:s22], $0x5FFFF  }
0xbb: {  	[dreg:$0x1] =	wrdreg $0xFFFFFFFF  }
0xbc: {  	[dreg:$0x0] =	wrdreg $0x60  }
0xbd: {  	[dreg:$0x2] =	wrdreg s24  }
0xbe: {  	[dreg:$0x3] =	wrdreg $0x9  }
0xbf: {  	_ =	task.clear_ibuf [dreg:s22], $0x4FFFF;
	_ =	strace $0x90000049  }
0xc0: {  	s29 =	simm.s32 $0x9;
	_ =	strace $0x8000004B  }
0xc1: {  	_ =	swait.ge [sflag:s29], $0x1  }
0xc2: {  	[sflag:s29] =	ssyncadd.s32 $0xFFFFFFFF  }
0xc3: {  	_ =	strace $0x9000004B  }
0xc4: {  	_ =	sfence  }
0xc5: {  	s30 =	sld [smem:$0x0];
	_ =	sdelay $0x2  }
0xc6: {  	s31 =	sshll.u32 s1, $0xD;
	s1 =	sshrl.u32 s1, $0x2  }
0xc7: {  	s4 =	sand.u32 $0x4000, s31;
	s1 =	sadd.s32 s1, s30  }
0xc8: {  	s0 =	sor.u32 s4, s0;
	s1 =	sshll.u32 s1, $0x11  }
0xc9: {  	s0 =	sor.u32 s1, s0  }
0xca: {  	s0 =	sadd.s32 $0x8F2B, s0  }
0xcb: {  	[sflag:s0] =	ssyncadd.remote.s32 $0x1  }
0xcc: {  	_ =	sfence.sel $0xFFFF  }
0xcd: {  	[dreg:$0x0] =	wrdreg $0xFFFFFFFF;
	(pc) =	sbr.abs _section_cstart, $3  }
0xce: {  	[dreg:$0x1] =	wrdreg $0xFFFFFFFF  }
0xcf: {  	_ =	task.clear_ibuf [dreg:s22], $0x2FFFF;
	_ =	strace $0x9FFFFFFF  }
0xd0: {  	(tm) =	ssettm $0x7FFFFFFF  }
0xd1: {  	_ =	shalt  }
tec
execute0_lowered:
.L_overlay_start_1:
0x0: {  	(tag) =	ssettag $0x1  }
0x1: {  	s4 =	rddreg [dreg:$0x0]  }
0x2: {  	s0 =	rddreg [dreg:$0x1];
	s2 =	simm.s32 $0x0  }
0x3: {  	s3 =	srdreg.scid;
	s1 =	stileid.u32;
	s9 =	simm.s32 $0x2000  }
0x4: {  	s10 =	simm.s32 $0x6000;
	s11 =	simm.s32 $0x1;
	s12 =	simm.s32 $0x2  }
0x5: {  	s13 =	simm.s32 $0x1F80;
	s14 =	simm.s32 $0xA000;
	s15 =	simm.s32 $0x0  }
0x6: {  	[smem:$0x7FF] =	sst s2;
	s5 =	sand.u32 $0x1, s3;
	s6 =	sshll.u32 s1, $0x1  }
0x7: {  	s3 =	sadd.s32 $0x133A00, s4;
	_ =	strace $0x8000004A;
	s6 =	sor.u32 s5, s6  }
0x8: {  	s5 =	ssub.s32 $0x2, s5;
	s7 =	sshll.u32 s6, $0xA;
	s6 =	sshll.u32 s6, $0xC  }
0x9: {  	s8 =	sshrl.u32 s5, $0x1;
	s7 =	sadd.s32 s7, s4;
	s6 =	sadd.s32 s6, s4  }
0xa: {  	s8 =	ssub.s32 s5, s8;
	s4 =	sadd.s32 $0x1B3A00, s7;
	s5 =	sadd.s32 $0x1BBA00, s6  }
0xb: {  	s6 =	smax.u32 s8, $0x1;
	s7 =	simm.s32 $0x3;
	s8 =	simm.s32 $0x80  }
.LBB2_1:
0xc: {  	[tilespmem:s2], [sflag:$0x3] =	stream.linear.gather [hbm4b:s4+s2], $0x2000, $0x38;
	[tilespmem:$0x12000] =	vst v63  }
0xd: {  	_ =	swait.ge [sflag:s7], $0x2000  }
0xe: {  	[sflag:s7] =	ssyncset.done $0x0  }
0xf: {  	[sflag:s7] =	ssyncadd.s32 $0xFFFFE000  }
0x10: {  	[tilespmem:s9], [sflag:$0x1] =	stream.indirect.gather [hbm4b:s3+s8], $0x80, s2, s8, $0xb8;
	[tilespmem:$0x12000] =	vst v63  }
0x11: {  	s16 =	simm.s32 $0x80  }
0x12: {  	[tilespmem:s10], [sflag:$0x2] =	stream.indirect.gather [hbm4b:s3+s8], $0x80, s16, s8, $0xb8;
	[tilespmem:$0x12000] =	vst v63  }
0x13: {  	_ =	swait.ge [sflag:s11], $0x4000  }
0x14: {  	[sflag:s11] =	ssyncset.done $0x0  }
0x15: {  	s31 =	simm.s32 $0x100;
	[sflag:s11] =	ssyncadd.s32 $0xFFFFC000  }
0x16: {  	[tilespmem:s9], [sflag:$0x1] =	stream.indirect.gather [hbm4b:s3+s8], $0x80, s31, s8, $0xb8;
	[tilespmem:$0x12000] =	vst v63  }
0x17: {  	_ =	swait.ge [sflag:s12], $0x4000  }
0x18: {  	s17 =	simm.s32 $0xFFFF8C00;
	s16 =	simm.s32 $0xFFFFE200;
	[sflag:s12] =	ssyncset.done $0x0  }
.LBB2_2:
0x19: {  	s18 =	sadd.s32 $0x1F80, s16  }
0x1a: {  	[sflag:s12] =	ssyncadd.s32 $0xFFFFC000;
	s19 =	smov.u32 s17;
	s20 =	sadd.s32 $0x400, s17  }
0x1b: {  	[tilespmem:s10], [sflag:$0x2] =	stream.indirect.gather [hbm4b:s3+s8], $0x80, s18, s8, $0xb8;
	[tilespmem:$0x12000] =	vst v63  }
0x1c: {  	p0 =	sne.s32 s17, $0xFFFFFC00;
	_ =	swait.ge [sflag:s11], $0x4000  }
.Ltmp0:
0x1d: {  	[sflag:s11] =	ssyncset.done $0x0;
	(pc) =	sbr.rel @p0 .LBB2_2-.Ltmp0, $4  }
0x1e: {  	s16 =	sadd.s32 $0x2000, s16;
	[sflag:s11] =	ssyncadd.s32 $0xFFFFC000  }
0x1f: {  	[tilespmem:s9], [sflag:$0x1] =	stream.indirect.gather [hbm4b:s3+s8], $0x80, s16, s8, $0xb8;
	[tilespmem:$0x12000] =	vst v63  }
0x20: {  	_ =	swait.ge [sflag:s12], $0x4000  }
0x21: {  	s17 =	smov.u32 s20;
	s16 =	sshra.s32 s19, $0x2;
	[sflag:s12] =	ssyncset.done $0x0  }
0x22: {  	s17 =	sadd.s32 $0x1F80, s16;
	[sflag:s12] =	ssyncadd.s32 $0xFFFFC000  }
0x23: {  	[tilespmem:s10], [sflag:$0x2] =	stream.indirect.gather [hbm4b:s3+s8], $0x80, s17, s8, $0xb8;
	[tilespmem:$0x12000] =	vst v63  }
0x24: {  	_ =	swait.ge [sflag:s11], $0x4000  }
0x25: {  	[sflag:s11] =	ssyncset.done $0x0  }
0x26: {  	s31 =	sadd.s32 $0x2000, s16;
	[sflag:s11] =	ssyncadd.s32 $0xFFFFC000  }
0x27: {  	[tilespmem:s9], [sflag:$0x1] =	stream.indirect.gather [hbm4b:s3+s8], $0x80, s31, s8, $0xb8;
	[tilespmem:$0x12000] =	vst v63  }
0x28: {  	_ =	swait.ge [sflag:s12], $0x4000  }
0x29: {  	[sflag:s12] =	ssyncset.done $0x0  }
0x2a: {  	[sflag:s12] =	ssyncadd.s32 $0xFFFFC000  }
0x2b: {  	[tilespmem:s10], [sflag:$0x2] =	stream.indirect.gather [hbm4b:s3+s8], $0x80, s13, s8, $0xb8;
	[tilespmem:$0x12000] =	vst v63  }
0x2c: {  	_ =	swait.ge [sflag:s11], $0x4000  }
0x2d: {  	[sflag:s11] =	ssyncset.done $0x0  }
0x2e: {  	[sflag:s11] =	ssyncadd.s32 $0xFFFFC000  }
0x2f: {  	s15 =	sadd.s32 $0x1, s15;
	_ =	swait.ge [sflag:s12], $0x4000  }
0x30: {  	p0 =	sne.s32 s15, s6;
	[sflag:s12] =	ssyncset.done $0x0  }
.Ltmp1:
0x31: {  	[sflag:s12] =	ssyncadd.s32 $0xFFFFC000;
	(pc) =	sbr.rel @p0 .LBB2_1-.Ltmp1, $4  }
0x32: {  	[hbm4b:s5+s2] =	stream.linear.scatter [tilespmem:s14], [sflag:$0x3], $0x8000, $0x38;
	[tilespmem:$0x12000] =	vst v63  }
0x33: {  	_ =	swait.ge [sflag:s7], $0x8000  }
0x34: {  	[sflag:s7] =	ssyncset.done $0x0  }
0x35: {  	[sflag:s7] =	ssyncadd.s32 $0xFFFF8000  }
0x36: {  	_ =	sfence.sel $0x180000  }
0x37: {  	[bflag:$0x0] =	sbarrier.arrive $0xFFFF  }
0x38: {  	p0 =	sne.s32 s1, $0x0;
	_ =	strace $0x9000004A  }
0x39: {  	s0 =	sadd.s32 @!p0 $0x100000, s0;
	[bflag:$0x2] =	sbarrier.arrive $0xFFFF  }
0x3a: {  	[sflag:s0] =	ssyncadd.tile.s32 @!p0 $0x1;
	_ =	shalt  }
.Lfunc_end2:
_tile_overlayer_lowered:
.L_overlay_start_2:
0x3b: {  	(tag) =	ssettag $0x2  }
0x3c: {  	s0 =	rddreg [dreg:$0x0];
	s2 =	stileid.u32  }
0x3d: {  	s1 =	rddreg [dreg:$0x1];
	p0 =	sne.s32 s2, $0x0  }
0x3e: {  	s3 =	rddreg [dreg:$0x2];
	[bflag:$0x3] =	sbarrier.arrive $0xFFFF;
	s2 =	simm.s32 @!p0 $0x1C03  }
0x3f: {  	[timem:s3], [sflag:s2] =	dma.local @!p0 [hbm:s0], s1  }
0x40: {  	s0 =	simm.s32 @!p0 $0x3  }
0x41: {  	_ =	swait.ge @!p0 [sflag:s0], s1  }
0x42: {  	s1 =	ssub.s32 @!p0 $0x0, s1;
	[sflag:s0] =	ssyncset.done @!p0 $0x0  }
0x43: {  	[sflag:s0] =	ssyncadd.s32 @!p0 s1  }
0x44: {  	[bflag:$0x3] =	sbarrier.arrive $0xFFFF  }
0x45: {  	_ =	shalt  }

// kernel: kernel.21.cloned.1.call-start
scs
__scs_entry_jumppad:
0x0: {  	(pc) =	sbr.rel $0x88, $3  }
0x1: {  	(tag) =	ssettag $0x0;
	lr =	simm.s32 $0x1  }
0x2: {  	[smem:$0x3F90] =	sst lr;
	_ =	strace $0xD0000000  }
0x3: {  	_ = 	snop  }
0x4: {  	_ = 	snop  }
0x5: {  	_ = 	snop  }
0x6: {  	_ = 	snop  }
0x7: {  	_ = 	snop  }
__scs_overlays_trampoline_lowered:
0x8: {  	[smem:$0x3F9F] =	sst s0  }
0x9: {  	[smem:$0x3FA0] =	sst s1  }
0xa: {  	[smem:$0x3FA1] =	sst s2  }
0xb: {  	[smem:$0x3FA2] =	sst s3  }
0xc: {  	[smem:$0x3FA3] =	sst s4  }
0xd: {  	[smem:$0x3FA4] =	sst s5  }
0xe: {  	[smem:$0x3FA5] =	sst s6  }
0xf: {  	[smem:$0x3FA6] =	sst s7  }
0x10: {  	[smem:$0x3FA7] =	sst s8  }
0x11: {  	[smem:$0x3FA8] =	sst s9;
	s0 =	simm.s32 @!p0 $0x0  }
0x12: {  	s1 =	sld [smem:$0x3F8E];
	s0 =	simm.s32 @p0 $0x1  }
0x13: {  	[smem:$0x3FA9] =	sst s0;
	s0 =	simm.s32 @!p1 $0x0  }
0x14: {  	s2 =	sld [smem:$0x3F8D];
	s0 =	simm.s32 @p1 $0x1  }
0x15: {  	[smem:$0x3FAA] =	sst s0;
	s0 =	simm.s32 @!p2 $0x0  }
0x16: {  	s3 =	sld [smem:$0x3FDB];
	s0 =	simm.s32 @p2 $0x1  }
0x17: {  	s4 =	simm.s32 $0x1BF5;
	[smem:$0x3FAC] =	sst s0  }
0x18: {  	s0 =	sld [smem:$0x3F8F];
	_ =	swait.ge [sflag:s4], $0x0  }
0x19: {  	s7 =	sld [smem:$0x3F90]  }
0x1a: {  	s8 =	sadd.s32 $0xFFFFE003, lr  }
0x1b: {  	s9 =	sadd.s32 $0xFFFFFEF7, lr;
	s5 =	simm.s32 $0xFFFFFFFF;
	p2 =	slt.u32 s8, $0xFFFFF086  }
0x1c: {  	p1 =	slt.u32 s9, $0xF7A;
	s5 =	simm.s32 @!p2 $0x0  }
0x1d: {  	s5 =	simm.s32 @p1 $0x1;
	p0 =	seq.s32 s7, s2  }
0x1e: {  	s7 =	smul.u32 @!p0 $0xF7A, s2;
	p2 =	seq.s32 @!p0 s5, $0x0  }
0x1f: {  	s9 =	smul.u32 $0xF7A, s1;
	s8 =	simm.s32 @!p0 $0x1BF5;
	p2 =	por !p2, p0  }
0x20: {  	[sflag:s8] =	ssyncset.s32 @!p0 $0xFFFFF086;
	s6 =	sadd.s32 @!p0 s3, s7;
	s7 =	simm.s32 @!p0 $0x108  }
0x21: {  	s3 =	sadd.s32 s3, s9;
	s6 =	sadd.s32 @!p0 $0x88, s6;
	s7 =	simm.s32 @p2 $0x1082  }
0x22: {  	[simem:s7], [sflag:s8] =	dma.local @!p0 [hbm:s6], $0xF7A  }
0x23: {  	s9 =	sor.u32 $0xD0000000, s2;
	s6 =	simm.s32 $0x108;
	_ =	swait.ge @!p0 [sflag:s8], $0x0  }
0x24: {  	s3 =	sadd.s32 $0x88, s3;
	s6 =	simm.s32 @!p1 $0x1082;
	[sflag:s4] =	ssyncset.s32 $0xFFFFF086  }
0x25: {  	[simem:s6], [sflag:s4] =	dma.local [hbm:s3], $0xF7A  }
0x26: {  	[smem:$0x3F90] =	sst s1;
	(tag) =	ssettag s2;
	_ =	strace s9  }
0x27: {  	s1 =	sld [smem:$0x3FA0]  }
0x28: {  	s2 =	sld [smem:$0x3FA1]  }
0x29: {  	s4 =	sld [smem:$0x3FA3]  }
0x2a: {  	p0 =	seq.s32 s5, $0x0;
	s5 =	sld [smem:$0x3FA4]  }
0x2b: {  	s6 =	sld [smem:$0x3FA5]  }
0x2c: {  	s7 =	sld [smem:$0x3FA6]  }
0x2d: {  	s3 =	simm.s32 $0x108;
	s8 =	sld [smem:$0x3FA7]  }
0x2e: {  	s3 =	simm.s32 @!p0 $0x1082;
	s9 =	sld [smem:$0x3FA8]  }
0x2f: {  	lr =	sadd.s32 s0, s3;
	s0 =	sld [smem:$0x3F9F]  }
0x30: {  	s3 =	sld [smem:$0x3FA2]  }
0x31: {  	[smem:$0x3FAB] =	sst s10  }
0x32: {  	s10 =	sld [smem:$0x3FA9];
	_ =	sdelay $0x3  }
0x33: {  	p0 =	seq.s32 s10, $0x1;
	s10 =	sld [smem:$0x3FAB];
	_ =	sdelay $0x3  }
0x34: {  	[smem:$0x3FAB] =	sst s10  }
0x35: {  	s10 =	sld [smem:$0x3FAA];
	_ =	sdelay $0x3  }
0x36: {  	p1 =	seq.s32 s10, $0x1;
	s10 =	sld [smem:$0x3FAB];
	_ =	sdelay $0x3  }
0x37: {  	[smem:$0x3FAB] =	sst s10  }
0x38: {  	s10 =	sld [smem:$0x3FAC]  }
0x39: {  	_ = 	snop;
	(pc) =	sbr.ind lr, $3  }
0x3a: {  	_ = 	snop  }
0x3b: {  	_ = 	snop  }
0x3c: {  	p2 =	seq.s32 s10, $0x1;
	s10 =	sld [smem:$0x3FAB]  }
0x3d: {  	_ =	shalt  }
0x3e: {  	_ =	shalt  }
0x3f: {  	_ =	shalt  }
0x40: {  	_ =	shalt  }
0x41: {  	_ =	shalt  }
0x42: {  	_ =	shalt  }
0x43: {  	_ =	shalt  }
0x44: {  	_ =	shalt  }
0x45: {  	_ =	shalt  }
0x46: {  	_ =	shalt  }
0x47: {  	_ =	shalt  }
0x48: {  	_ =	shalt  }
0x49: {  	_ =	shalt  }
0x4a: {  	_ =	shalt  }
0x4b: {  	_ =	shalt  }
0x4c: {  	_ =	shalt  }
0x4d: {  	_ =	shalt  }
0x4e: {  	_ =	shalt  }
0x4f: {  	_ =	shalt  }
0x50: {  	_ =	shalt  }
0x51: {  	_ =	shalt  }
0x52: {  	_ =	shalt  }
0x53: {  	_ =	shalt  }
0x54: {  	_ =	shalt  }
0x55: {  	_ =	shalt  }
0x56: {  	_ =	shalt  }
0x57: {  	_ =	shalt  }
0x58: {  	_ =	shalt  }
0x59: {  	_ =	shalt  }
0x5a: {  	_ =	shalt  }
0x5b: {  	_ =	shalt  }
0x5c: {  	_ =	shalt  }
0x5d: {  	_ =	shalt  }
0x5e: {  	_ =	shalt  }
0x5f: {  	_ =	shalt  }
0x60: {  	_ =	shalt  }
0x61: {  	_ =	shalt  }
0x62: {  	_ =	shalt  }
0x63: {  	_ =	shalt  }
0x64: {  	_ =	shalt  }
0x65: {  	_ =	shalt  }
0x66: {  	_ =	shalt  }
0x67: {  	_ =	shalt  }
0x68: {  	_ =	shalt  }
0x69: {  	_ =	shalt  }
0x6a: {  	_ =	shalt  }
0x6b: {  	_ =	shalt  }
0x6c: {  	_ =	shalt  }
0x6d: {  	_ =	shalt  }
0x6e: {  	_ =	shalt  }
0x6f: {  	_ =	shalt  }
0x70: {  	_ =	shalt  }
0x71: {  	_ =	shalt  }
0x72: {  	_ =	shalt  }
0x73: {  	_ =	shalt  }
0x74: {  	_ =	shalt  }
0x75: {  	_ =	shalt  }
0x76: {  	_ =	shalt  }
0x77: {  	_ =	shalt  }
0x78: {  	_ =	shalt  }
0x79: {  	_ =	shalt  }
0x7a: {  	_ =	shalt  }
0x7b: {  	_ =	shalt  }
0x7c: {  	_ =	shalt  }
0x7d: {  	_ =	shalt  }
0x7e: {  	_ =	shalt  }
0x7f: {  	_ =	shalt  }
0x80: {  	_ =	shalt  }
0x81: {  	_ =	shalt  }
0x82: {  	_ =	shalt  }
0x83: {  	_ =	shalt  }
0x84: {  	_ =	shalt  }
0x85: {  	_ =	shalt  }
0x86: {  	_ =	shalt  }
0x87: {  	_ =	shalt  }
.Lfunc_end0:
.L_simem_size_0:
called_computation.1_lowered:
.L_overlay_start_0:
0x88: {  	s2 =	sld [smem:$0x3FD9]  }
0x89: {  	s3 =	sld [smem:$0x3FFE];
	_ =	sdelay $0x1  }
0x8a: {  	s1 =	srdreg.scid  }
0x8b: {  	s0 =	sand.u32 $0x1, s1  }
0x8c: {  	s17 =	sshll.u32 s0, $0xA;
	s2 =	sadd.s32 s3, s2  }
0x8d: {  	s2 =	sadd.s32 s2, s17  }
0x8e: {  	[smem:$0x3FB7] =	sst s2  }
0x8f: {  	_ = 	snop  }
0x90: {  	(tm) =	ssettm $0x1  }
0x91: {  	s18 =	sld [smem:$0x3FFB];
	_ =	sdelay $0x3  }
0x92: {  	_ =	strace s18  }
0x93: {  	s2 =	sld [smem:$0x3FFC];
	_ =	sdelay $0x3  }
0x94: {  	_ =	strace s2  }
0x95: {  	s2 =	sld [smem:$0x3FFD];
	_ =	sdelay $0x3  }
0x96: {  	_ =	strace s2  }
0x97: {  	_ =	strace $0x8FFFFFFF  }
0x98: {  	s19 =	sld [smem:$0x3FDB];
	_ =	sdelay $0x1  }
0x99: {  	s20 =	simm.s32 $_scs_section_size  }
0x9a: {  	s4 =	simm.s32 $_size__tile_overlayer_lowered;
	s5 =	simm.s32 $_tile_overlayer_lowered  }
0x9b: {  	s6 =	simm.s32 $0x1BFF;
	s21 =	sshll.u32 s5, $0x1;
	s3 =	sadd.s32 s20, s19  }
0x9c: {  	s22 =	simm.s32 $0x0;
	s4 =	sshll.u32 s4, $0x1;
	s5 =	sadd.s32 s21, s3  }
0x9d: {  	[timem:s22], [sflag:s6] =	dma.local [hbm:s5], s4  }
0x9e: {  	_ =	swait.ge [sflag:s6], s4  }
0x9f: {  	s4 =	ssub.s32 $0x0, s4;
	[sflag:s6] =	ssyncset.done $0x0  }
0xa0: {  	[sflag:s6] =	ssyncadd.s32 s4;
	_ =	sdelay $0x1  }
0xa1: {  	s23 =	simm.s32 $0x1B8B  }
0xa2: {  	_ =	swait.ge [sflag:s23], $0x1  }
0xa3: {  	[sflag:s23] =	ssyncset.done $0x0  }
0xa4: {  	[sflag:s23] =	ssyncadd.s32 $0xFFFFFFFF  }
0xa5: {  	s4 =	sld [smem:$0x0]  }
0xa6: {  	s5 =	sand.u32 $0xFFFFFFFE, s1  }
0xa7: {  	p0 =	sne.s32 s1, s5  }
0xa8: {  	s5 =	sshll.u32 @p0 s5, $0xE  }
0xa9: {  	s5 =	sadd.s32 @p0 $0x11B8D, s5;
	s6 =	sshll.u32 @p0 s4, $0x11  }
0xaa: {  	s5 =	sor.u32 @p0 s6, s5  }
0xab: {  	[sflag:s5] =	ssyncadd.remote.s32 @p0 $0x1;
	_ =	sdelay $0x1  }
0xac: {  	s5 =	simm.s32 @p0 $0x1B8D  }
0xad: {  	_ =	swait.eq @p0 [sflag:s5], $0x1  }
0xae: {  	[sflag:s5] =	ssyncadd.s32 @p0 $0xFFFFFFFF  }
0xaf: {  	s6 =	sshll.u32 @!p0 s1, $0xE  }
0xb0: {  	s6 =	sor.u32 @!p0 $0x4000, s6;
	s5 =	simm.s32 @!p0 $0x1B8D  }
0xb1: {  	s4 =	sshll.u32 @!p0 s4, $0x11;
	s6 =	sadd.s32 @!p0 $0x11B8D, s6;
	_ =	swait.eq @!p0 [sflag:s5], $0x1  }
0xb2: {  	s4 =	sor.u32 @!p0 s4, s6;
	[sflag:s5] =	ssyncadd.s32 @!p0 $0xFFFFFFFF  }
0xb3: {  	s25 =	simm.s32 $0x1B8E;
	s24 =	sld [smem:$0x3FFE];
	[sflag:s4] =	ssyncadd.remote.s32 @!p0 $0x1  }
0xb4: {  	s26 =	simm.s32 $execute0_lowered;
	[smem:$0x3FD2] =	sst s25  }
0xb5: {  	s5 =	sshll.u32 s26, $0x1;
	_ =	strace $0x8000004F;
	[dreg:$0x1] =	wrdreg $0xFFFFFFFF  }
0xb6: {  	s28 =	simm.s32 $_size_execute0_lowered;
	s3 =	sadd.s32 s3, s5;
	[dreg:$0x0] =	wrdreg $0x0  }
0xb7: {  	s5 =	sshll.u32 s28, $0x1;
	[dreg:$0x2] =	wrdreg s3  }
0xb8: {  	[dreg:$0x3] =	wrdreg s5  }
0xb9: {  	[dreg:$0x4] =	wrdreg $0xC0  }
0xba: {  	_ =	task [dreg:s22], $0x5FFFF  }
0xbb: {  	[dreg:$0x1] =	wrdreg $0xFFFFFFFF  }
0xbc: {  	[dreg:$0x0] =	wrdreg $0x60  }
0xbd: {  	[dreg:$0x2] =	wrdreg s24  }
0xbe: {  	[dreg:$0x3] =	wrdreg $0x9  }
0xbf: {  	_ =	task.clear_ibuf [dreg:s22], $0x4FFFF;
	_ =	strace $0x9000004F  }
0xc0: {  	s29 =	simm.s32 $0x9;
	_ =	strace $0x80000051  }
0xc1: {  	_ =	swait.ge [sflag:s29], $0x1  }
0xc2: {  	[sflag:s29] =	ssyncadd.s32 $0xFFFFFFFF  }
0xc3: {  	_ =	strace $0x90000051  }
0xc4: {  	_ =	sfence  }
0xc5: {  	s30 =	sld [smem:$0x0];
	_ =	sdelay $0x2  }
0xc6: {  	s31 =	sshll.u32 s1, $0xD;
	s1 =	sshrl.u32 s1, $0x2  }
0xc7: {  	s4 =	sand.u32 $0x4000, s31;
	s1 =	sadd.s32 s1, s30  }
0xc8: {  	s0 =	sor.u32 s4, s0;
	s1 =	sshll.u32 s1, $0x11  }
0xc9: {  	s0 =	sor.u32 s1, s0  }
0xca: {  	s0 =	sadd.s32 $0x8F2B, s0  }
0xcb: {  	[sflag:s0] =	ssyncadd.remote.s32 $0x1  }
0xcc: {  	_ =	sfence.sel $0xFFFF  }
0xcd: {  	[dreg:$0x0] =	wrdreg $0xFFFFFFFF;
	(pc) =	sbr.abs _section_cstart, $3  }
0xce: {  	[dreg:$0x1] =	wrdreg $0xFFFFFFFF  }
0xcf: {  	_ =	task.clear_ibuf [dreg:s22], $0x2FFFF;
	_ =	strace $0x9FFFFFFF  }
0xd0: {  	(tm) =	ssettm $0x7FFFFFFF  }
0xd1: {  	_ =	shalt  }
tec
execute0_lowered:
.L_overlay_start_1:
0x0: {  	(tag) =	ssettag $0x1  }
0x1: {  	s4 =	rddreg [dreg:$0x0]  }
0x2: {  	s0 =	rddreg [dreg:$0x1];
	s2 =	simm.s32 $0x0  }
0x3: {  	s3 =	srdreg.scid;
	s1 =	stileid.u32;
	s9 =	simm.s32 $0x2000  }
0x4: {  	s10 =	simm.s32 $0x6000;
	s11 =	simm.s32 $0x1;
	s12 =	simm.s32 $0x2  }
0x5: {  	s13 =	simm.s32 $0x1F80;
	s14 =	simm.s32 $0xA000;
	s15 =	simm.s32 $0x0  }
0x6: {  	[smem:$0x7FF] =	sst s2;
	s5 =	sand.u32 $0x1, s3;
	s6 =	sshll.u32 s1, $0x1  }
0x7: {  	s3 =	sadd.s32 $0x133A00, s4;
	_ =	strace $0x80000050;
	s6 =	sor.u32 s5, s6  }
0x8: {  	s5 =	ssub.s32 $0x2, s5;
	s7 =	sshll.u32 s6, $0xA;
	s6 =	sshll.u32 s6, $0xC  }
0x9: {  	s8 =	sshrl.u32 s5, $0x1;
	s7 =	sadd.s32 s7, s4;
	s6 =	sadd.s32 s6, s4  }
0xa: {  	s8 =	ssub.s32 s5, s8;
	s4 =	sadd.s32 $0x1B3A00, s7;
	s5 =	sadd.s32 $0x1BBA00, s6  }
0xb: {  	s6 =	smax.u32 s8, $0x1;
	s7 =	simm.s32 $0x3;
	s8 =	simm.s32 $0x80  }
.LBB2_1:
0xc: {  	[tilespmem:s2], [sflag:$0x3] =	stream.linear.gather [hbm4b:s4+s2], $0x2000, $0x38;
	[tilespmem:$0x12000] =	vst v63  }
0xd: {  	_ =	swait.ge [sflag:s7], $0x2000  }
0xe: {  	[sflag:s7] =	ssyncset.done $0x0  }
0xf: {  	[sflag:s7] =	ssyncadd.s32 $0xFFFFE000  }
0x10: {  	[tilespmem:s9], [sflag:$0x1] =	stream.indirect.gather [hbm4b:s3+s8], $0x80, s2, s8, $0xb8;
	[tilespmem:$0x12000] =	vst v63  }
0x11: {  	s16 =	simm.s32 $0x80  }
0x12: {  	[tilespmem:s10], [sflag:$0x2] =	stream.indirect.gather [hbm4b:s3+s8], $0x80, s16, s8, $0xb8;
	[tilespmem:$0x12000] =	vst v63  }
0x13: {  	_ =	swait.ge [sflag:s11], $0x4000  }
0x14: {  	[sflag:s11] =	ssyncset.done $0x0  }
0x15: {  	s31 =	simm.s32 $0x100;
	[sflag:s11] =	ssyncadd.s32 $0xFFFFC000  }
0x16: {  	[tilespmem:s9], [sflag:$0x1] =	stream.indirect.gather [hbm4b:s3+s8], $0x80, s31, s8, $0xb8;
	[tilespmem:$0x12000] =	vst v63  }
0x17: {  	_ =	swait.ge [sflag:s12], $0x4000  }
0x18: {  	s17 =	simm.s32 $0xFFFF8C00;
	s16 =	simm.s32 $0xFFFFE200;
	[sflag:s12] =	ssyncset.done $0x0  }
.LBB2_2:
0x19: {  	s18 =	sadd.s32 $0x1F80, s16  }
0x1a: {  	[sflag:s12] =	ssyncadd.s32 $0xFFFFC000;
	s19 =	smov.u32 s17;
	s20 =	sadd.s32 $0x400, s17  }
0x1b: {  	[tilespmem:s10], [sflag:$0x2] =	stream.indirect.gather [hbm4b:s3+s8], $0x80, s18, s8, $0xb8;
	[tilespmem:$0x12000] =	vst v63  }
0x1c: {  	p0 =	sne.s32 s17, $0xFFFFFC00;
	_ =	swait.ge [sflag:s11], $0x4000  }
.Ltmp0:
0x1d: {  	[sflag:s11] =	ssyncset.done $0x0;
	(pc) =	sbr.rel @p0 .LBB2_2-.Ltmp0, $4  }
0x1e: {  	s16 =	sadd.s32 $0x2000, s16;
	[sflag:s11] =	ssyncadd.s32 $0xFFFFC000  }
0x1f: {  	[tilespmem:s9], [sflag:$0x1] =	stream.indirect.gather [hbm4b:s3+s8], $0x80, s16, s8, $0xb8;
	[tilespmem:$0x12000] =	vst v63  }
0x20: {  	_ =	swait.ge [sflag:s12], $0x4000  }
0x21: {  	s17 =	smov.u32 s20;
	s16 =	sshra.s32 s19, $0x2;
	[sflag:s12] =	ssyncset.done $0x0  }
0x22: {  	s17 =	sadd.s32 $0x1F80, s16;
	[sflag:s12] =	ssyncadd.s32 $0xFFFFC000  }
0x23: {  	[tilespmem:s10], [sflag:$0x2] =	stream.indirect.gather [hbm4b:s3+s8], $0x80, s17, s8, $0xb8;
	[tilespmem:$0x12000] =	vst v63  }
0x24: {  	_ =	swait.ge [sflag:s11], $0x4000  }
0x25: {  	[sflag:s11] =	ssyncset.done $0x0  }
0x26: {  	s31 =	sadd.s32 $0x2000, s16;
	[sflag:s11] =	ssyncadd.s32 $0xFFFFC000  }
0x27: {  	[tilespmem:s9], [sflag:$0x1] =	stream.indirect.gather [hbm4b:s3+s8], $0x80, s31, s8, $0xb8;
	[tilespmem:$0x12000] =	vst v63  }
0x28: {  	_ =	swait.ge [sflag:s12], $0x4000  }
0x29: {  	[sflag:s12] =	ssyncset.done $0x0  }
0x2a: {  	[sflag:s12] =	ssyncadd.s32 $0xFFFFC000  }
0x2b: {  	[tilespmem:s10], [sflag:$0x2] =	stream.indirect.gather [hbm4b:s3+s8], $0x80, s13, s8, $0xb8;
	[tilespmem:$0x12000] =	vst v63  }
0x2c: {  	_ =	swait.ge [sflag:s11], $0x4000  }
0x2d: {  	[sflag:s11] =	ssyncset.done $0x0  }
0x2e: {  	[sflag:s11] =	ssyncadd.s32 $0xFFFFC000  }
0x2f: {  	s15 =	sadd.s32 $0x1, s15;
	_ =	swait.ge [sflag:s12], $0x4000  }
0x30: {  	p0 =	sne.s32 s15, s6;
	[sflag:s12] =	ssyncset.done $0x0  }
.Ltmp1:
0x31: {  	[sflag:s12] =	ssyncadd.s32 $0xFFFFC000;
	(pc) =	sbr.rel @p0 .LBB2_1-.Ltmp1, $4  }
0x32: {  	[hbm4b:s5+s2] =	stream.linear.scatter [tilespmem:s14], [sflag:$0x3], $0x8000, $0x38;
	[tilespmem:$0x12000] =	vst v63  }
0x33: {  	_ =	swait.ge [sflag:s7], $0x8000  }
0x34: {  	[sflag:s7] =	ssyncset.done $0x0  }
0x35: {  	[sflag:s7] =	ssyncadd.s32 $0xFFFF8000  }
0x36: {  	_ =	sfence.sel $0x180000  }
0x37: {  	[bflag:$0x0] =	sbarrier.arrive $0xFFFF  }
0x38: {  	p0 =	sne.s32 s1, $0x0;
	_ =	strace $0x90000050  }
0x39: {  	s0 =	sadd.s32 @!p0 $0x100000, s0;
	[bflag:$0x2] =	sbarrier.arrive $0xFFFF  }
0x3a: {  	[sflag:s0] =	ssyncadd.tile.s32 @!p0 $0x1;
	_ =	shalt  }
.Lfunc_end2:
_tile_overlayer_lowered:
.L_overlay_start_2:
0x3b: {  	(tag) =	ssettag $0x2  }
0x3c: {  	s0 =	rddreg [dreg:$0x0];
	s2 =	stileid.u32  }
0x3d: {  	s1 =	rddreg [dreg:$0x1];
	p0 =	sne.s32 s2, $0x0  }
0x3e: {  	s3 =	rddreg [dreg:$0x2];
	[bflag:$0x3] =	sbarrier.arrive $0xFFFF;
	s2 =	simm.s32 @!p0 $0x1C03  }
0x3f: {  	[timem:s3], [sflag:s2] =	dma.local @!p0 [hbm:s0], s1  }
0x40: {  	s0 =	simm.s32 @!p0 $0x3  }
0x41: {  	_ =	swait.ge @!p0 [sflag:s0], s1  }
0x42: {  	s1 =	ssub.s32 @!p0 $0x0, s1;
	[sflag:s0] =	ssyncset.done @!p0 $0x0  }
0x43: {  	[sflag:s0] =	ssyncadd.s32 @!p0 s1  }
0x44: {  	[bflag:$0x3] =	sbarrier.arrive $0xFFFF  }
0x45: {  	_ =	shalt  }

// kernel: kernel.24.cloned.1.call-start
scs
__scs_entry_jumppad:
0x0: {  	(pc) =	sbr.rel $0x88, $3  }
0x1: {  	(tag) =	ssettag $0x0;
	lr =	simm.s32 $0x1  }
0x2: {  	[smem:$0x3F90] =	sst lr;
	_ =	strace $0xD0000000  }
0x3: {  	_ = 	snop  }
0x4: {  	_ = 	snop  }
0x5: {  	_ = 	snop  }
0x6: {  	_ = 	snop  }
0x7: {  	_ = 	snop  }
__scs_overlays_trampoline_lowered:
0x8: {  	[smem:$0x3F9F] =	sst s0  }
0x9: {  	[smem:$0x3FA0] =	sst s1  }
0xa: {  	[smem:$0x3FA1] =	sst s2  }
0xb: {  	[smem:$0x3FA2] =	sst s3  }
0xc: {  	[smem:$0x3FA3] =	sst s4  }
0xd: {  	[smem:$0x3FA4] =	sst s5  }
0xe: {  	[smem:$0x3FA5] =	sst s6  }
0xf: {  	[smem:$0x3FA6] =	sst s7  }
0x10: {  	[smem:$0x3FA7] =	sst s8  }
0x11: {  	[smem:$0x3FA8] =	sst s9;
	s0 =	simm.s32 @!p0 $0x0  }
0x12: {  	s1 =	sld [smem:$0x3F8E];
	s0 =	simm.s32 @p0 $0x1  }
0x13: {  	[smem:$0x3FA9] =	sst s0;
	s0 =	simm.s32 @!p1 $0x0  }
0x14: {  	s2 =	sld [smem:$0x3F8D];
	s0 =	simm.s32 @p1 $0x1  }
0x15: {  	[smem:$0x3FAA] =	sst s0;
	s0 =	simm.s32 @!p2 $0x0  }
0x16: {  	s3 =	sld [smem:$0x3FDB];
	s0 =	simm.s32 @p2 $0x1  }
0x17: {  	s4 =	simm.s32 $0x1BF5;
	[smem:$0x3FAC] =	sst s0  }
0x18: {  	s0 =	sld [smem:$0x3F8F];
	_ =	swait.ge [sflag:s4], $0x0  }
0x19: {  	s7 =	sld [smem:$0x3F90]  }
0x1a: {  	s8 =	sadd.s32 $0xFFFFE003, lr  }
0x1b: {  	s9 =	sadd.s32 $0xFFFFFEF7, lr;
	s5 =	simm.s32 $0xFFFFFFFF;
	p2 =	slt.u32 s8, $0xFFFFF086  }
0x1c: {  	p1 =	slt.u32 s9, $0xF7A;
	s5 =	simm.s32 @!p2 $0x0  }
0x1d: {  	s5 =	simm.s32 @p1 $0x1;
	p0 =	seq.s32 s7, s2  }
0x1e: {  	s7 =	smul.u32 @!p0 $0xF7A, s2;
	p2 =	seq.s32 @!p0 s5, $0x0  }
0x1f: {  	s9 =	smul.u32 $0xF7A, s1;
	s8 =	simm.s32 @!p0 $0x1BF5;
	p2 =	por !p2, p0  }
0x20: {  	[sflag:s8] =	ssyncset.s32 @!p0 $0xFFFFF086;
	s6 =	sadd.s32 @!p0 s3, s7;
	s7 =	simm.s32 @!p0 $0x108  }
0x21: {  	s3 =	sadd.s32 s3, s9;
	s6 =	sadd.s32 @!p0 $0x88, s6;
	s7 =	simm.s32 @p2 $0x1082  }
0x22: {  	[simem:s7], [sflag:s8] =	dma.local @!p0 [hbm:s6], $0xF7A  }
0x23: {  	s9 =	sor.u32 $0xD0000000, s2;
	s6 =	simm.s32 $0x108;
	_ =	swait.ge @!p0 [sflag:s8], $0x0  }
0x24: {  	s3 =	sadd.s32 $0x88, s3;
	s6 =	simm.s32 @!p1 $0x1082;
	[sflag:s4] =	ssyncset.s32 $0xFFFFF086  }
0x25: {  	[simem:s6], [sflag:s4] =	dma.local [hbm:s3], $0xF7A  }
0x26: {  	[smem:$0x3F90] =	sst s1;
	(tag) =	ssettag s2;
	_ =	strace s9  }
0x27: {  	s1 =	sld [smem:$0x3FA0]  }
0x28: {  	s2 =	sld [smem:$0x3FA1]  }
0x29: {  	s4 =	sld [smem:$0x3FA3]  }
0x2a: {  	p0 =	seq.s32 s5, $0x0;
	s5 =	sld [smem:$0x3FA4]  }
0x2b: {  	s6 =	sld [smem:$0x3FA5]  }
0x2c: {  	s7 =	sld [smem:$0x3FA6]  }
0x2d: {  	s3 =	simm.s32 $0x108;
	s8 =	sld [smem:$0x3FA7]  }
0x2e: {  	s3 =	simm.s32 @!p0 $0x1082;
	s9 =	sld [smem:$0x3FA8]  }
0x2f: {  	lr =	sadd.s32 s0, s3;
	s0 =	sld [smem:$0x3F9F]  }
0x30: {  	s3 =	sld [smem:$0x3FA2]  }
0x31: {  	[smem:$0x3FAB] =	sst s10  }
0x32: {  	s10 =	sld [smem:$0x3FA9];
	_ =	sdelay $0x3  }
0x33: {  	p0 =	seq.s32 s10, $0x1;
	s10 =	sld [smem:$0x3FAB];
	_ =	sdelay $0x3  }
0x34: {  	[smem:$0x3FAB] =	sst s10  }
0x35: {  	s10 =	sld [smem:$0x3FAA];
	_ =	sdelay $0x3  }
0x36: {  	p1 =	seq.s32 s10, $0x1;
	s10 =	sld [smem:$0x3FAB];
	_ =	sdelay $0x3  }
0x37: {  	[smem:$0x3FAB] =	sst s10  }
0x38: {  	s10 =	sld [smem:$0x3FAC]  }
0x39: {  	_ = 	snop;
	(pc) =	sbr.ind lr, $3  }
0x3a: {  	_ = 	snop  }
0x3b: {  	_ = 	snop  }
0x3c: {  	p2 =	seq.s32 s10, $0x1;
	s10 =	sld [smem:$0x3FAB]  }
0x3d: {  	_ =	shalt  }
0x3e: {  	_ =	shalt  }
0x3f: {  	_ =	shalt  }
0x40: {  	_ =	shalt  }
0x41: {  	_ =	shalt  }
0x42: {  	_ =	shalt  }
0x43: {  	_ =	shalt  }
0x44: {  	_ =	shalt  }
0x45: {  	_ =	shalt  }
0x46: {  	_ =	shalt  }
0x47: {  	_ =	shalt  }
0x48: {  	_ =	shalt  }
0x49: {  	_ =	shalt  }
0x4a: {  	_ =	shalt  }
0x4b: {  	_ =	shalt  }
0x4c: {  	_ =	shalt  }
0x4d: {  	_ =	shalt  }
0x4e: {  	_ =	shalt  }
0x4f: {  	_ =	shalt  }
0x50: {  	_ =	shalt  }
0x51: {  	_ =	shalt  }
0x52: {  	_ =	shalt  }
0x53: {  	_ =	shalt  }
0x54: {  	_ =	shalt  }
0x55: {  	_ =	shalt  }
0x56: {  	_ =	shalt  }
0x57: {  	_ =	shalt  }
0x58: {  	_ =	shalt  }
0x59: {  	_ =	shalt  }
0x5a: {  	_ =	shalt  }
0x5b: {  	_ =	shalt  }
0x5c: {  	_ =	shalt  }
0x5d: {  	_ =	shalt  }
0x5e: {  	_ =	shalt  }
0x5f: {  	_ =	shalt  }
0x60: {  	_ =	shalt  }
0x61: {  	_ =	shalt  }
0x62: {  	_ =	shalt  }
0x63: {  	_ =	shalt  }
0x64: {  	_ =	shalt  }
0x65: {  	_ =	shalt  }
0x66: {  	_ =	shalt  }
0x67: {  	_ =	shalt  }
0x68: {  	_ =	shalt  }
0x69: {  	_ =	shalt  }
0x6a: {  	_ =	shalt  }
0x6b: {  	_ =	shalt  }
0x6c: {  	_ =	shalt  }
0x6d: {  	_ =	shalt  }
0x6e: {  	_ =	shalt  }
0x6f: {  	_ =	shalt  }
0x70: {  	_ =	shalt  }
0x71: {  	_ =	shalt  }
0x72: {  	_ =	shalt  }
0x73: {  	_ =	shalt  }
0x74: {  	_ =	shalt  }
0x75: {  	_ =	shalt  }
0x76: {  	_ =	shalt  }
0x77: {  	_ =	shalt  }
0x78: {  	_ =	shalt  }
0x79: {  	_ =	shalt  }
0x7a: {  	_ =	shalt  }
0x7b: {  	_ =	shalt  }
0x7c: {  	_ =	shalt  }
0x7d: {  	_ =	shalt  }
0x7e: {  	_ =	shalt  }
0x7f: {  	_ =	shalt  }
0x80: {  	_ =	shalt  }
0x81: {  	_ =	shalt  }
0x82: {  	_ =	shalt  }
0x83: {  	_ =	shalt  }
0x84: {  	_ =	shalt  }
0x85: {  	_ =	shalt  }
0x86: {  	_ =	shalt  }
0x87: {  	_ =	shalt  }
.Lfunc_end0:
.L_simem_size_0:
called_computation.2_lowered:
.L_overlay_start_0:
0x88: {  	s2 =	sld [smem:$0x3FD9]  }
0x89: {  	s3 =	sld [smem:$0x3FFE];
	_ =	sdelay $0x1  }
0x8a: {  	s1 =	srdreg.scid  }
0x8b: {  	s0 =	sand.u32 $0x1, s1  }
0x8c: {  	s16 =	sshll.u32 s0, $0xA;
	s2 =	sadd.s32 s3, s2  }
0x8d: {  	s2 =	sadd.s32 s2, s16  }
0x8e: {  	[smem:$0x3FB7] =	sst s2  }
0x8f: {  	_ = 	snop  }
0x90: {  	(tm) =	ssettm $0x1  }
0x91: {  	s17 =	sld [smem:$0x3FFB];
	_ =	sdelay $0x3  }
0x92: {  	_ =	strace s17  }
0x93: {  	s2 =	sld [smem:$0x3FFC];
	_ =	sdelay $0x3  }
0x94: {  	_ =	strace s2  }
0x95: {  	s2 =	sld [smem:$0x3FFD];
	_ =	sdelay $0x3  }
0x96: {  	_ =	strace s2  }
0x97: {  	_ =	strace $0x8FFFFFFF  }
0x98: {  	s18 =	sld [smem:$0x3FDB];
	_ =	sdelay $0x1  }
0x99: {  	s19 =	simm.s32 $_scs_section_size  }
0x9a: {  	s4 =	simm.s32 $_size__tile_overlayer_lowered;
	s5 =	simm.s32 $_tile_overlayer_lowered  }
0x9b: {  	s22 =	simm.s32 $0x1BFF;
	s21 =	sshll.u32 s5, $0x1;
	s2 =	sadd.s32 s19, s18  }
0x9c: {  	s6 =	simm.s32 $0x0;
	s20 =	sshll.u32 s4, $0x1;
	s4 =	sadd.s32 s21, s2  }
0x9d: {  	[timem:s6], [sflag:s22] =	dma.local [hbm:s4], s20  }
0x9e: {  	_ =	swait.ge [sflag:s22], s20  }
0x9f: {  	s3 =	ssub.s32 $0x0, s20;
	[sflag:s22] =	ssyncset.done $0x0  }
0xa0: {  	[sflag:s22] =	ssyncadd.s32 s3;
	_ =	sdelay $0x1  }
0xa1: {  	s23 =	simm.s32 $0x1B8B  }
0xa2: {  	_ =	swait.ge [sflag:s23], $0x1  }
0xa3: {  	[sflag:s23] =	ssyncset.done $0x0  }
0xa4: {  	s25 =	simm.s32 $0x1B8E;
	s24 =	sld [smem:$0x3FFE];
	[sflag:s23] =	ssyncadd.s32 $0xFFFFFFFF  }
0xa5: {  	s26 =	simm.s32 $execute0_lowered;
	[smem:$0x3FD2] =	sst s25  }
0xa6: {  	s4 =	sshll.u32 s26, $0x1;
	_ =	strace $0x80000046;
	[dreg:$0x1] =	wrdreg $0xFFFFFFFF  }
0xa7: {  	s28 =	simm.s32 $_size_execute0_lowered;
	s2 =	sadd.s32 s2, s4;
	[dreg:$0x0] =	wrdreg $0x0  }
0xa8: {  	s4 =	sshll.u32 s28, $0x1;
	[dreg:$0x2] =	wrdreg s2  }
0xa9: {  	[dreg:$0x3] =	wrdreg s4  }
0xaa: {  	[dreg:$0x4] =	wrdreg $0xC0  }
0xab: {  	_ =	task [dreg:s6], $0x5FFFF  }
0xac: {  	[dreg:$0x1] =	wrdreg $0xFFFFFFFF  }
0xad: {  	[dreg:$0x0] =	wrdreg $0x60  }
0xae: {  	[dreg:$0x2] =	wrdreg s24  }
0xaf: {  	[dreg:$0x3] =	wrdreg $0xA  }
0xb0: {  	_ =	task.clear_ibuf [dreg:s6], $0x4FFFF;
	_ =	strace $0x90000046  }
0xb1: {  	s29 =	simm.s32 $0xA;
	_ =	strace $0x80000048  }
0xb2: {  	_ =	swait.ge [sflag:s29], $0x1  }
0xb3: {  	[sflag:s29] =	ssyncadd.s32 $0xFFFFFFFF  }
0xb4: {  	_ =	strace $0x90000048  }
0xb5: {  	_ =	sfence  }
0xb6: {  	s30 =	sld [smem:$0x0];
	_ =	sdelay $0x2  }
0xb7: {  	s31 =	sshll.u32 s1, $0xD;
	s1 =	sshrl.u32 s1, $0x2  }
0xb8: {  	s3 =	sand.u32 $0x4000, s31;
	s1 =	sadd.s32 s1, s30  }
0xb9: {  	s0 =	sor.u32 s3, s0;
	s1 =	sshll.u32 s1, $0x11  }
0xba: {  	s0 =	sor.u32 s1, s0  }
0xbb: {  	s0 =	sadd.s32 $0x8F2B, s0  }
0xbc: {  	[sflag:s0] =	ssyncadd.remote.s32 $0x1  }
0xbd: {  	_ =	sfence.sel $0xFFFF  }
0xbe: {  	[dreg:$0x0] =	wrdreg $0xFFFFFFFF;
	(pc) =	sbr.abs _section_cstart, $3  }
0xbf: {  	[dreg:$0x1] =	wrdreg $0xFFFFFFFF  }
0xc0: {  	_ =	task.clear_ibuf [dreg:s6], $0x2FFFF;
	_ =	strace $0x9FFFFFFF  }
0xc1: {  	(tm) =	ssettm $0x7FFFFFFF  }
tec
execute0_lowered:
.L_overlay_start_1:
0x0: {  	(tag) =	ssettag $0x1  }
0x1: {  	s4 =	rddreg [dreg:$0x0]  }
0x2: {  	s0 =	rddreg [dreg:$0x1];
	s2 =	simm.s32 $0x0  }
0x3: {  	s3 =	srdreg.scid;
	s1 =	stileid.u32;
	s9 =	simm.s32 $0x4000  }
0x4: {  	s10 =	simm.s32 $0x8000;
	s11 =	simm.s32 $0x1;
	s12 =	simm.s32 $0x2  }
0x5: {  	s13 =	simm.s32 $0x3F80;
	s14 =	simm.s32 $0xC000;
	s15 =	simm.s32 $0x0  }
0x6: {  	[smem:$0x7FF] =	sst s2;
	s5 =	sand.u32 $0x1, s3;
	s6 =	sshll.u32 s1, $0x1  }
0x7: {  	s3 =	sadd.s32 $0x13A00, s4;
	_ =	strace $0x80000047;
	s6 =	sor.u32 s5, s6  }
0x8: {  	s5 =	ssub.s32 $0x2, s5;
	s7 =	sshll.u32 s6, $0xB;
	s6 =	sshll.u32 s6, $0xC  }
0x9: {  	s8 =	sshrl.u32 s5, $0x1;
	s7 =	sadd.s32 s7, s4;
	s6 =	sadd.s32 s6, s4  }
0xa: {  	s8 =	ssub.s32 s5, s8;
	s4 =	sadd.s32 $0x3A00, s7;
	s5 =	sadd.s32 $0x113A00, s6  }
0xb: {  	s6 =	smax.u32 s8, $0x1;
	s7 =	simm.s32 $0x3;
	s8 =	simm.s32 $0x80  }
.LBB2_1:
0xc: {  	[tilespmem:s2], [sflag:$0x3] =	stream.linear.gather [hbm4b:s4+s2], $0x4000, $0x38;
	[tilespmem:$0x14000] =	vst v63  }
0xd: {  	_ =	swait.ge [sflag:s7], $0x4000  }
0xe: {  	[sflag:s7] =	ssyncset.done $0x0  }
0xf: {  	[sflag:s7] =	ssyncadd.s32 $0xFFFFC000  }
0x10: {  	[tilespmem:s9], [sflag:$0x1] =	stream.indirect.gather [hbm4b:s3+s8], $0x80, s2, s8, $0xb8;
	[tilespmem:$0x14000] =	vst v63  }
0x11: {  	s16 =	simm.s32 $0x80  }
0x12: {  	[tilespmem:s10], [sflag:$0x2] =	stream.indirect.gather [hbm4b:s3+s8], $0x80, s16, s8, $0xb8;
	[tilespmem:$0x14000] =	vst v63  }
0x13: {  	_ =	swait.ge [sflag:s11], $0x4000  }
0x14: {  	[sflag:s11] =	ssyncset.done $0x0  }
0x15: {  	s31 =	simm.s32 $0x100;
	[sflag:s11] =	ssyncadd.s32 $0xFFFFC000  }
0x16: {  	[tilespmem:s9], [sflag:$0x1] =	stream.indirect.gather [hbm4b:s3+s8], $0x80, s31, s8, $0xb8;
	[tilespmem:$0x14000] =	vst v63  }
0x17: {  	_ =	swait.ge [sflag:s12], $0x4000  }
0x18: {  	s17 =	simm.s32 $0xFFFF0C00;
	s16 =	simm.s32 $0xFFFFC200;
	[sflag:s12] =	ssyncset.done $0x0  }
.LBB2_2:
0x19: {  	s18 =	sadd.s32 $0x3F80, s16  }
0x1a: {  	[sflag:s12] =	ssyncadd.s32 $0xFFFFC000;
	s19 =	smov.u32 s17;
	s20 =	sadd.s32 $0x400, s17  }
0x1b: {  	[tilespmem:s10], [sflag:$0x2] =	stream.indirect.gather [hbm4b:s3+s8], $0x80, s18, s8, $0xb8;
	[tilespmem:$0x14000] =	vst v63  }
0x1c: {  	p0 =	sne.s32 s17, $0xFFFFFC00;
	_ =	swait.ge [sflag:s11], $0x4000  }
.Ltmp0:
0x1d: {  	[sflag:s11] =	ssyncset.done $0x0;
	(pc) =	sbr.rel @p0 .LBB2_2-.Ltmp0, $4  }
0x1e: {  	s16 =	sadd.s32 $0x4000, s16;
	[sflag:s11] =	ssyncadd.s32 $0xFFFFC000  }
0x1f: {  	[tilespmem:s9], [sflag:$0x1] =	stream.indirect.gather [hbm4b:s3+s8], $0x80, s16, s8, $0xb8;
	[tilespmem:$0x14000] =	vst v63  }
0x20: {  	_ =	swait.ge [sflag:s12], $0x4000  }
0x21: {  	s17 =	smov.u32 s20;
	s16 =	sshra.s32 s19, $0x2;
	[sflag:s12] =	ssyncset.done $0x0  }
0x22: {  	s17 =	sadd.s32 $0x3F80, s16;
	[sflag:s12] =	ssyncadd.s32 $0xFFFFC000  }
0x23: {  	[tilespmem:s10], [sflag:$0x2] =	stream.indirect.gather [hbm4b:s3+s8], $0x80, s17, s8, $0xb8;
	[tilespmem:$0x14000] =	vst v63  }
0x24: {  	_ =	swait.ge [sflag:s11], $0x4000  }
0x25: {  	[sflag:s11] =	ssyncset.done $0x0  }
0x26: {  	s31 =	sadd.s32 $0x4000, s16;
	[sflag:s11] =	ssyncadd.s32 $0xFFFFC000  }
0x27: {  	[tilespmem:s9], [sflag:$0x1] =	stream.indirect.gather [hbm4b:s3+s8], $0x80, s31, s8, $0xb8;
	[tilespmem:$0x14000] =	vst v63  }
0x28: {  	_ =	swait.ge [sflag:s12], $0x4000  }
0x29: {  	[sflag:s12] =	ssyncset.done $0x0  }
0x2a: {  	[sflag:s12] =	ssyncadd.s32 $0xFFFFC000  }
0x2b: {  	[tilespmem:s10], [sflag:$0x2] =	stream.indirect.gather [hbm4b:s3+s8], $0x80, s13, s8, $0xb8;
	[tilespmem:$0x14000] =	vst v63  }
0x2c: {  	_ =	swait.ge [sflag:s11], $0x4000  }
0x2d: {  	[sflag:s11] =	ssyncset.done $0x0  }
0x2e: {  	[sflag:s11] =	ssyncadd.s32 $0xFFFFC000  }
0x2f: {  	s15 =	sadd.s32 $0x1, s15;
	_ =	swait.ge [sflag:s12], $0x4000  }
0x30: {  	p0 =	sne.s32 s15, s6;
	[sflag:s12] =	ssyncset.done $0x0  }
.Ltmp1:
0x31: {  	[sflag:s12] =	ssyncadd.s32 $0xFFFFC000;
	(pc) =	sbr.rel @p0 .LBB2_1-.Ltmp1, $4  }
0x32: {  	[hbm4b:s5+s2] =	stream.linear.scatter [tilespmem:s14], [sflag:$0x3], $0x8000, $0x38;
	[tilespmem:$0x14000] =	vst v63  }
0x33: {  	_ =	swait.ge [sflag:s7], $0x8000  }
0x34: {  	[sflag:s7] =	ssyncset.done $0x0  }
0x35: {  	[sflag:s7] =	ssyncadd.s32 $0xFFFF8000  }
0x36: {  	_ =	sfence.sel $0x180000  }
0x37: {  	[bflag:$0x0] =	sbarrier.arrive $0xFFFF  }
0x38: {  	p0 =	sne.s32 s1, $0x0;
	_ =	strace $0x90000047  }
0x39: {  	s0 =	sadd.s32 @!p0 $0x100000, s0;
	[bflag:$0x2] =	sbarrier.arrive $0xFFFF  }
0x3a: {  	[sflag:s0] =	ssyncadd.tile.s32 @!p0 $0x1;
	_ =	shalt  }
.Lfunc_end2:
_tile_overlayer_lowered:
.L_overlay_start_2:
0x3b: {  	(tag) =	ssettag $0x2  }
0x3c: {  	s0 =	rddreg [dreg:$0x0];
	s2 =	stileid.u32  }
0x3d: {  	s1 =	rddreg [dreg:$0x1];
	p0 =	sne.s32 s2, $0x0  }
0x3e: {  	s3 =	rddreg [dreg:$0x2];
	[bflag:$0x3] =	sbarrier.arrive $0xFFFF;
	s2 =	simm.s32 @!p0 $0x1C03  }
0x3f: {  	[timem:s3], [sflag:s2] =	dma.local @!p0 [hbm:s0], s1  }
0x40: {  	s0 =	simm.s32 @!p0 $0x3  }
0x41: {  	_ =	swait.ge @!p0 [sflag:s0], s1  }
0x42: {  	s1 =	ssub.s32 @!p0 $0x0, s1;
	[sflag:s0] =	ssyncset.done @!p0 $0x0  }
0x43: {  	[sflag:s0] =	ssyncadd.s32 @!p0 s1  }
0x44: {  	[bflag:$0x3] =	sbarrier.arrive $0xFFFF  }
0x45: {  	_ =	shalt  }

// kernel: kernel.27.cloned.1.call-start
scs
__scs_entry_jumppad:
0x0: {  	(pc) =	sbr.rel $0x88, $3  }
0x1: {  	(tag) =	ssettag $0x0;
	lr =	simm.s32 $0x1  }
0x2: {  	[smem:$0x3F90] =	sst lr;
	_ =	strace $0xD0000000  }
0x3: {  	_ = 	snop  }
0x4: {  	_ = 	snop  }
0x5: {  	_ = 	snop  }
0x6: {  	_ = 	snop  }
0x7: {  	_ = 	snop  }
__scs_overlays_trampoline_lowered:
0x8: {  	[smem:$0x3F9F] =	sst s0  }
0x9: {  	[smem:$0x3FA0] =	sst s1  }
0xa: {  	[smem:$0x3FA1] =	sst s2  }
0xb: {  	[smem:$0x3FA2] =	sst s3  }
0xc: {  	[smem:$0x3FA3] =	sst s4  }
0xd: {  	[smem:$0x3FA4] =	sst s5  }
0xe: {  	[smem:$0x3FA5] =	sst s6  }
0xf: {  	[smem:$0x3FA6] =	sst s7  }
0x10: {  	[smem:$0x3FA7] =	sst s8  }
0x11: {  	[smem:$0x3FA8] =	sst s9;
	s0 =	simm.s32 @!p0 $0x0  }
0x12: {  	s1 =	sld [smem:$0x3F8E];
	s0 =	simm.s32 @p0 $0x1  }
0x13: {  	[smem:$0x3FA9] =	sst s0;
	s0 =	simm.s32 @!p1 $0x0  }
0x14: {  	s2 =	sld [smem:$0x3F8D];
	s0 =	simm.s32 @p1 $0x1  }
0x15: {  	[smem:$0x3FAA] =	sst s0;
	s0 =	simm.s32 @!p2 $0x0  }
0x16: {  	s3 =	sld [smem:$0x3FDB];
	s0 =	simm.s32 @p2 $0x1  }
0x17: {  	s4 =	simm.s32 $0x1BF5;
	[smem:$0x3FAC] =	sst s0  }
0x18: {  	s0 =	sld [smem:$0x3F8F];
	_ =	swait.ge [sflag:s4], $0x0  }
0x19: {  	s7 =	sld [smem:$0x3F90]  }
0x1a: {  	s8 =	sadd.s32 $0xFFFFE003, lr  }
0x1b: {  	s9 =	sadd.s32 $0xFFFFFEF7, lr;
	s5 =	simm.s32 $0xFFFFFFFF;
	p2 =	slt.u32 s8, $0xFFFFF086  }
0x1c: {  	p1 =	slt.u32 s9, $0xF7A;
	s5 =	simm.s32 @!p2 $0x0  }
0x1d: {  	s5 =	simm.s32 @p1 $0x1;
	p0 =	seq.s32 s7, s2  }
0x1e: {  	s7 =	smul.u32 @!p0 $0xF7A, s2;
	p2 =	seq.s32 @!p0 s5, $0x0  }
0x1f: {  	s9 =	smul.u32 $0xF7A, s1;
	s8 =	simm.s32 @!p0 $0x1BF5;
	p2 =	por !p2, p0  }
0x20: {  	[sflag:s8] =	ssyncset.s32 @!p0 $0xFFFFF086;
	s6 =	sadd.s32 @!p0 s3, s7;
	s7 =	simm.s32 @!p0 $0x108  }
0x21: {  	s3 =	sadd.s32 s3, s9;
	s6 =	sadd.s32 @!p0 $0x88, s6;
	s7 =	simm.s32 @p2 $0x1082  }
0x22: {  	[simem:s7], [sflag:s8] =	dma.local @!p0 [hbm:s6], $0xF7A  }
0x23: {  	s9 =	sor.u32 $0xD0000000, s2;
	s6 =	simm.s32 $0x108;
	_ =	swait.ge @!p0 [sflag:s8], $0x0  }
0x24: {  	s3 =	sadd.s32 $0x88, s3;
	s6 =	simm.s32 @!p1 $0x1082;
	[sflag:s4] =	ssyncset.s32 $0xFFFFF086  }
0x25: {  	[simem:s6], [sflag:s4] =	dma.local [hbm:s3], $0xF7A  }
0x26: {  	[smem:$0x3F90] =	sst s1;
	(tag) =	ssettag s2;
	_ =	strace s9  }
0x27: {  	s1 =	sld [smem:$0x3FA0]  }
0x28: {  	s2 =	sld [smem:$0x3FA1]  }
0x29: {  	s4 =	sld [smem:$0x3FA3]  }
0x2a: {  	p0 =	seq.s32 s5, $0x0;
	s5 =	sld [smem:$0x3FA4]  }
0x2b: {  	s6 =	sld [smem:$0x3FA5]  }
0x2c: {  	s7 =	sld [smem:$0x3FA6]  }
0x2d: {  	s3 =	simm.s32 $0x108;
	s8 =	sld [smem:$0x3FA7]  }
0x2e: {  	s3 =	simm.s32 @!p0 $0x1082;
	s9 =	sld [smem:$0x3FA8]  }
0x2f: {  	lr =	sadd.s32 s0, s3;
	s0 =	sld [smem:$0x3F9F]  }
0x30: {  	s3 =	sld [smem:$0x3FA2]  }
0x31: {  	[smem:$0x3FAB] =	sst s10  }
0x32: {  	s10 =	sld [smem:$0x3FA9];
	_ =	sdelay $0x3  }
0x33: {  	p0 =	seq.s32 s10, $0x1;
	s10 =	sld [smem:$0x3FAB];
	_ =	sdelay $0x3  }
0x34: {  	[smem:$0x3FAB] =	sst s10  }
0x35: {  	s10 =	sld [smem:$0x3FAA];
	_ =	sdelay $0x3  }
0x36: {  	p1 =	seq.s32 s10, $0x1;
	s10 =	sld [smem:$0x3FAB];
	_ =	sdelay $0x3  }
0x37: {  	[smem:$0x3FAB] =	sst s10  }
0x38: {  	s10 =	sld [smem:$0x3FAC]  }
0x39: {  	_ = 	snop;
	(pc) =	sbr.ind lr, $3  }
0x3a: {  	_ = 	snop  }
0x3b: {  	_ = 	snop  }
0x3c: {  	p2 =	seq.s32 s10, $0x1;
	s10 =	sld [smem:$0x3FAB]  }
0x3d: {  	_ =	shalt  }
0x3e: {  	_ =	shalt  }
0x3f: {  	_ =	shalt  }
0x40: {  	_ =	shalt  }
0x41: {  	_ =	shalt  }
0x42: {  	_ =	shalt  }
0x43: {  	_ =	shalt  }
0x44: {  	_ =	shalt  }
0x45: {  	_ =	shalt  }
0x46: {  	_ =	shalt  }
0x47: {  	_ =	shalt  }
0x48: {  	_ =	shalt  }
0x49: {  	_ =	shalt  }
0x4a: {  	_ =	shalt  }
0x4b: {  	_ =	shalt  }
0x4c: {  	_ =	shalt  }
0x4d: {  	_ =	shalt  }
0x4e: {  	_ =	shalt  }
0x4f: {  	_ =	shalt  }
0x50: {  	_ =	shalt  }
0x51: {  	_ =	shalt  }
0x52: {  	_ =	shalt  }
0x53: {  	_ =	shalt  }
0x54: {  	_ =	shalt  }
0x55: {  	_ =	shalt  }
0x56: {  	_ =	shalt  }
0x57: {  	_ =	shalt  }
0x58: {  	_ =	shalt  }
0x59: {  	_ =	shalt  }
0x5a: {  	_ =	shalt  }
0x5b: {  	_ =	shalt  }
0x5c: {  	_ =	shalt  }
0x5d: {  	_ =	shalt  }
0x5e: {  	_ =	shalt  }
0x5f: {  	_ =	shalt  }
0x60: {  	_ =	shalt  }
0x61: {  	_ =	shalt  }
0x62: {  	_ =	shalt  }
0x63: {  	_ =	shalt  }
0x64: {  	_ =	shalt  }
0x65: {  	_ =	shalt  }
0x66: {  	_ =	shalt  }
0x67: {  	_ =	shalt  }
0x68: {  	_ =	shalt  }
0x69: {  	_ =	shalt  }
0x6a: {  	_ =	shalt  }
0x6b: {  	_ =	shalt  }
0x6c: {  	_ =	shalt  }
0x6d: {  	_ =	shalt  }
0x6e: {  	_ =	shalt  }
0x6f: {  	_ =	shalt  }
0x70: {  	_ =	shalt  }
0x71: {  	_ =	shalt  }
0x72: {  	_ =	shalt  }
0x73: {  	_ =	shalt  }
0x74: {  	_ =	shalt  }
0x75: {  	_ =	shalt  }
0x76: {  	_ =	shalt  }
0x77: {  	_ =	shalt  }
0x78: {  	_ =	shalt  }
0x79: {  	_ =	shalt  }
0x7a: {  	_ =	shalt  }
0x7b: {  	_ =	shalt  }
0x7c: {  	_ =	shalt  }
0x7d: {  	_ =	shalt  }
0x7e: {  	_ =	shalt  }
0x7f: {  	_ =	shalt  }
0x80: {  	_ =	shalt  }
0x81: {  	_ =	shalt  }
0x82: {  	_ =	shalt  }
0x83: {  	_ =	shalt  }
0x84: {  	_ =	shalt  }
0x85: {  	_ =	shalt  }
0x86: {  	_ =	shalt  }
0x87: {  	_ =	shalt  }
.Lfunc_end0:
.L_simem_size_0:
called_computation.3_lowered:
.L_overlay_start_0:
0x88: {  	s2 =	sld [smem:$0x3FD9]  }
0x89: {  	s3 =	sld [smem:$0x3FFE];
	_ =	sdelay $0x1  }
0x8a: {  	s1 =	srdreg.scid  }
0x8b: {  	s0 =	sand.u32 $0x1, s1  }
0x8c: {  	s17 =	sshll.u32 s0, $0xA;
	s2 =	sadd.s32 s3, s2  }
0x8d: {  	s2 =	sadd.s32 s2, s17  }
0x8e: {  	[smem:$0x3FB7] =	sst s2  }
0x8f: {  	_ = 	snop  }
0x90: {  	(tm) =	ssettm $0x1  }
0x91: {  	s18 =	sld [smem:$0x3FFB];
	_ =	sdelay $0x3  }
0x92: {  	_ =	strace s18  }
0x93: {  	s2 =	sld [smem:$0x3FFC];
	_ =	sdelay $0x3  }
0x94: {  	_ =	strace s2  }
0x95: {  	s2 =	sld [smem:$0x3FFD];
	_ =	sdelay $0x3  }
0x96: {  	_ =	strace s2  }
0x97: {  	_ =	strace $0x8FFFFFFF  }
0x98: {  	s19 =	sld [smem:$0x3FDB];
	_ =	sdelay $0x1  }
0x99: {  	s20 =	simm.s32 $_scs_section_size  }
0x9a: {  	s4 =	simm.s32 $_size__tile_overlayer_lowered;
	s5 =	simm.s32 $_tile_overlayer_lowered  }
0x9b: {  	s6 =	simm.s32 $0x1BFF;
	s21 =	sshll.u32 s5, $0x1;
	s3 =	sadd.s32 s20, s19  }
0x9c: {  	s22 =	simm.s32 $0x0;
	s4 =	sshll.u32 s4, $0x1;
	s5 =	sadd.s32 s21, s3  }
0x9d: {  	[timem:s22], [sflag:s6] =	dma.local [hbm:s5], s4  }
0x9e: {  	_ =	swait.ge [sflag:s6], s4  }
0x9f: {  	s4 =	ssub.s32 $0x0, s4;
	[sflag:s6] =	ssyncset.done $0x0  }
0xa0: {  	[sflag:s6] =	ssyncadd.s32 s4;
	_ =	sdelay $0x1  }
0xa1: {  	s23 =	simm.s32 $0x1B8B  }
0xa2: {  	_ =	swait.ge [sflag:s23], $0x1  }
0xa3: {  	[sflag:s23] =	ssyncset.done $0x0  }
0xa4: {  	[sflag:s23] =	ssyncadd.s32 $0xFFFFFFFF  }
0xa5: {  	s4 =	sld [smem:$0x0]  }
0xa6: {  	s5 =	sand.u32 $0xFFFFFFFE, s1  }
0xa7: {  	p0 =	sne.s32 s1, s5  }
0xa8: {  	s5 =	sshll.u32 @p0 s5, $0xE  }
0xa9: {  	s5 =	sadd.s32 @p0 $0x11B8D, s5;
	s6 =	sshll.u32 @p0 s4, $0x11  }
0xaa: {  	s5 =	sor.u32 @p0 s6, s5  }
0xab: {  	[sflag:s5] =	ssyncadd.remote.s32 @p0 $0x1;
	_ =	sdelay $0x1  }
0xac: {  	s5 =	simm.s32 @p0 $0x1B8D  }
0xad: {  	_ =	swait.eq @p0 [sflag:s5], $0x1  }
0xae: {  	[sflag:s5] =	ssyncadd.s32 @p0 $0xFFFFFFFF  }
0xaf: {  	s6 =	sshll.u32 @!p0 s1, $0xE  }
0xb0: {  	s6 =	sor.u32 @!p0 $0x4000, s6;
	s5 =	simm.s32 @!p0 $0x1B8D  }
0xb1: {  	s4 =	sshll.u32 @!p0 s4, $0x11;
	s6 =	sadd.s32 @!p0 $0x11B8D, s6;
	_ =	swait.eq @!p0 [sflag:s5], $0x1  }
0xb2: {  	s4 =	sor.u32 @!p0 s4, s6;
	[sflag:s5] =	ssyncadd.s32 @!p0 $0xFFFFFFFF  }
0xb3: {  	s25 =	simm.s32 $0x1B8E;
	s24 =	sld [smem:$0x3FFE];
	[sflag:s4] =	ssyncadd.remote.s32 @!p0 $0x1  }
0xb4: {  	s26 =	simm.s32 $execute0_lowered;
	[smem:$0x3FD2] =	sst s25  }
0xb5: {  	s5 =	sshll.u32 s26, $0x1;
	_ =	strace $0x8000004C;
	[dreg:$0x1] =	wrdreg $0xFFFFFFFF  }
0xb6: {  	s28 =	simm.s32 $_size_execute0_lowered;
	s3 =	sadd.s32 s3, s5;
	[dreg:$0x0] =	wrdreg $0x0  }
0xb7: {  	s5 =	sshll.u32 s28, $0x1;
	[dreg:$0x2] =	wrdreg s3  }
0xb8: {  	[dreg:$0x3] =	wrdreg s5  }
0xb9: {  	[dreg:$0x4] =	wrdreg $0xC0  }
0xba: {  	_ =	task [dreg:s22], $0x5FFFF  }
0xbb: {  	[dreg:$0x1] =	wrdreg $0xFFFFFFFF  }
0xbc: {  	[dreg:$0x0] =	wrdreg $0x60  }
0xbd: {  	[dreg:$0x2] =	wrdreg s24  }
0xbe: {  	[dreg:$0x3] =	wrdreg $0xA  }
0xbf: {  	_ =	task.clear_ibuf [dreg:s22], $0x4FFFF;
	_ =	strace $0x9000004C  }
0xc0: {  	s29 =	simm.s32 $0xA;
	_ =	strace $0x8000004E  }
0xc1: {  	_ =	swait.ge [sflag:s29], $0x1  }
0xc2: {  	[sflag:s29] =	ssyncadd.s32 $0xFFFFFFFF  }
0xc3: {  	_ =	strace $0x9000004E  }
0xc4: {  	_ =	sfence  }
0xc5: {  	s30 =	sld [smem:$0x0];
	_ =	sdelay $0x2  }
0xc6: {  	s31 =	sshll.u32 s1, $0xD;
	s1 =	sshrl.u32 s1, $0x2  }
0xc7: {  	s4 =	sand.u32 $0x4000, s31;
	s1 =	sadd.s32 s1, s30  }
0xc8: {  	s0 =	sor.u32 s4, s0;
	s1 =	sshll.u32 s1, $0x11  }
0xc9: {  	s0 =	sor.u32 s1, s0  }
0xca: {  	s0 =	sadd.s32 $0x8F2B, s0  }
0xcb: {  	[sflag:s0] =	ssyncadd.remote.s32 $0x1  }
0xcc: {  	_ =	sfence.sel $0xFFFF  }
0xcd: {  	[dreg:$0x0] =	wrdreg $0xFFFFFFFF;
	(pc) =	sbr.abs _section_cstart, $3  }
0xce: {  	[dreg:$0x1] =	wrdreg $0xFFFFFFFF  }
0xcf: {  	_ =	task.clear_ibuf [dreg:s22], $0x2FFFF;
	_ =	strace $0x9FFFFFFF  }
0xd0: {  	(tm) =	ssettm $0x7FFFFFFF  }
0xd1: {  	_ =	shalt  }
tec
execute0_lowered:
.L_overlay_start_1:
0x0: {  	(tag) =	ssettag $0x1  }
0x1: {  	s4 =	rddreg [dreg:$0x0]  }
0x2: {  	s0 =	rddreg [dreg:$0x1];
	s2 =	simm.s32 $0x0  }
0x3: {  	s3 =	srdreg.scid;
	s1 =	stileid.u32;
	s9 =	simm.s32 $0x4000  }
0x4: {  	s10 =	simm.s32 $0x8000;
	s11 =	simm.s32 $0x1;
	s12 =	simm.s32 $0x2  }
0x5: {  	s13 =	simm.s32 $0x3F80;
	s14 =	simm.s32 $0xC000;
	s15 =	simm.s32 $0x0  }
0x6: {  	[smem:$0x7FF] =	sst s2;
	s5 =	sand.u32 $0x1, s3;
	s6 =	sshll.u32 s1, $0x1  }
0x7: {  	s3 =	sadd.s32 $0x13A00, s4;
	_ =	strace $0x8000004D;
	s6 =	sor.u32 s5, s6  }
0x8: {  	s5 =	ssub.s32 $0x2, s5;
	s7 =	sshll.u32 s6, $0xB;
	s6 =	sshll.u32 s6, $0xC  }
0x9: {  	s8 =	sshrl.u32 s5, $0x1;
	s7 =	sadd.s32 s7, s4;
	s6 =	sadd.s32 s6, s4  }
0xa: {  	s8 =	ssub.s32 s5, s8;
	s4 =	sadd.s32 $0x3A00, s7;
	s5 =	sadd.s32 $0x113A00, s6  }
0xb: {  	s6 =	smax.u32 s8, $0x1;
	s7 =	simm.s32 $0x3;
	s8 =	simm.s32 $0x80  }
.LBB2_1:
0xc: {  	[tilespmem:s2], [sflag:$0x3] =	stream.linear.gather [hbm4b:s4+s2], $0x4000, $0x38;
	[tilespmem:$0x14000] =	vst v63  }
0xd: {  	_ =	swait.ge [sflag:s7], $0x4000  }
0xe: {  	[sflag:s7] =	ssyncset.done $0x0  }
0xf: {  	[sflag:s7] =	ssyncadd.s32 $0xFFFFC000  }
0x10: {  	[tilespmem:s9], [sflag:$0x1] =	stream.indirect.gather [hbm4b:s3+s8], $0x80, s2, s8, $0xb8;
	[tilespmem:$0x14000] =	vst v63  }
0x11: {  	s16 =	simm.s32 $0x80  }
0x12: {  	[tilespmem:s10], [sflag:$0x2] =	stream.indirect.gather [hbm4b:s3+s8], $0x80, s16, s8, $0xb8;
	[tilespmem:$0x14000] =	vst v63  }
0x13: {  	_ =	swait.ge [sflag:s11], $0x4000  }
0x14: {  	[sflag:s11] =	ssyncset.done $0x0  }
0x15: {  	s31 =	simm.s32 $0x100;
	[sflag:s11] =	ssyncadd.s32 $0xFFFFC000  }
0x16: {  	[tilespmem:s9], [sflag:$0x1] =	stream.indirect.gather [hbm4b:s3+s8], $0x80, s31, s8, $0xb8;
	[tilespmem:$0x14000] =	vst v63  }
0x17: {  	_ =	swait.ge [sflag:s12], $0x4000  }
0x18: {  	s17 =	simm.s32 $0xFFFF0C00;
	s16 =	simm.s32 $0xFFFFC200;
	[sflag:s12] =	ssyncset.done $0x0  }
.LBB2_2:
0x19: {  	s18 =	sadd.s32 $0x3F80, s16  }
0x1a: {  	[sflag:s12] =	ssyncadd.s32 $0xFFFFC000;
	s19 =	smov.u32 s17;
	s20 =	sadd.s32 $0x400, s17  }
0x1b: {  	[tilespmem:s10], [sflag:$0x2] =	stream.indirect.gather [hbm4b:s3+s8], $0x80, s18, s8, $0xb8;
	[tilespmem:$0x14000] =	vst v63  }
0x1c: {  	p0 =	sne.s32 s17, $0xFFFFFC00;
	_ =	swait.ge [sflag:s11], $0x4000  }
.Ltmp0:
0x1d: {  	[sflag:s11] =	ssyncset.done $0x0;
	(pc) =	sbr.rel @p0 .LBB2_2-.Ltmp0, $4  }
0x1e: {  	s16 =	sadd.s32 $0x4000, s16;
	[sflag:s11] =	ssyncadd.s32 $0xFFFFC000  }
0x1f: {  	[tilespmem:s9], [sflag:$0x1] =	stream.indirect.gather [hbm4b:s3+s8], $0x80, s16, s8, $0xb8;
	[tilespmem:$0x14000] =	vst v63  }
0x20: {  	_ =	swait.ge [sflag:s12], $0x4000  }
0x21: {  	s17 =	smov.u32 s20;
	s16 =	sshra.s32 s19, $0x2;
	[sflag:s12] =	ssyncset.done $0x0  }
0x22: {  	s17 =	sadd.s32 $0x3F80, s16;
	[sflag:s12] =	ssyncadd.s32 $0xFFFFC000  }
0x23: {  	[tilespmem:s10], [sflag:$0x2] =	stream.indirect.gather [hbm4b:s3+s8], $0x80, s17, s8, $0xb8;
	[tilespmem:$0x14000] =	vst v63  }
0x24: {  	_ =	swait.ge [sflag:s11], $0x4000  }
0x25: {  	[sflag:s11] =	ssyncset.done $0x0  }
0x26: {  	s31 =	sadd.s32 $0x4000, s16;
	[sflag:s11] =	ssyncadd.s32 $0xFFFFC000  }
0x27: {  	[tilespmem:s9], [sflag:$0x1] =	stream.indirect.gather [hbm4b:s3+s8], $0x80, s31, s8, $0xb8;
	[tilespmem:$0x14000] =	vst v63  }
0x28: {  	_ =	swait.ge [sflag:s12], $0x4000  }
0x29: {  	[sflag:s12] =	ssyncset.done $0x0  }
0x2a: {  	[sflag:s12] =	ssyncadd.s32 $0xFFFFC000  }
0x2b: {  	[tilespmem:s10], [sflag:$0x2] =	stream.indirect.gather [hbm4b:s3+s8], $0x80, s13, s8, $0xb8;
	[tilespmem:$0x14000] =	vst v63  }
0x2c: {  	_ =	swait.ge [sflag:s11], $0x4000  }
0x2d: {  	[sflag:s11] =	ssyncset.done $0x0  }
0x2e: {  	[sflag:s11] =	ssyncadd.s32 $0xFFFFC000  }
0x2f: {  	s15 =	sadd.s32 $0x1, s15;
	_ =	swait.ge [sflag:s12], $0x4000  }
0x30: {  	p0 =	sne.s32 s15, s6;
	[sflag:s12] =	ssyncset.done $0x0  }
.Ltmp1:
0x31: {  	[sflag:s12] =	ssyncadd.s32 $0xFFFFC000;
	(pc) =	sbr.rel @p0 .LBB2_1-.Ltmp1, $4  }
0x32: {  	[hbm4b:s5+s2] =	stream.linear.scatter [tilespmem:s14], [sflag:$0x3], $0x8000, $0x38;
	[tilespmem:$0x14000] =	vst v63  }
0x33: {  	_ =	swait.ge [sflag:s7], $0x8000  }
0x34: {  	[sflag:s7] =	ssyncset.done $0x0  }
0x35: {  	[sflag:s7] =	ssyncadd.s32 $0xFFFF8000  }
0x36: {  	_ =	sfence.sel $0x180000  }
0x37: {  	[bflag:$0x0] =	sbarrier.arrive $0xFFFF  }
0x38: {  	p0 =	sne.s32 s1, $0x0;
	_ =	strace $0x9000004D  }
0x39: {  	s0 =	sadd.s32 @!p0 $0x100000, s0;
	[bflag:$0x2] =	sbarrier.arrive $0xFFFF  }
0x3a: {  	[sflag:s0] =	ssyncadd.tile.s32 @!p0 $0x1;
	_ =	shalt  }
.Lfunc_end2:
_tile_overlayer_lowered:
.L_overlay_start_2:
0x3b: {  	(tag) =	ssettag $0x2  }
0x3c: {  	s0 =	rddreg [dreg:$0x0];
	s2 =	stileid.u32  }
0x3d: {  	s1 =	rddreg [dreg:$0x1];
	p0 =	sne.s32 s2, $0x0  }
0x3e: {  	s3 =	rddreg [dreg:$0x2];
	[bflag:$0x3] =	sbarrier.arrive $0xFFFF;
	s2 =	simm.s32 @!p0 $0x1C03  }
0x3f: {  	[timem:s3], [sflag:s2] =	dma.local @!p0 [hbm:s0], s1  }
0x40: {  	s0 =	simm.s32 @!p0 $0x3  }
0x41: {  	_ =	swait.ge @!p0 [sflag:s0], s1  }
0x42: {  	s1 =	ssub.s32 @!p0 $0x0, s1;
	[sflag:s0] =	ssyncset.done @!p0 $0x0  }
0x43: {  	[sflag:s0] =	ssyncadd.s32 @!p0 s1  }
0x44: {  	[bflag:$0x3] =	sbarrier.arrive $0xFFFF  }
0x45: {  	_ =	shalt  }

// kernel: kernel.30.cloned.1.call-start
scs
__scs_entry_jumppad:
0x0: {  	(pc) =	sbr.rel $0x88, $3  }
0x1: {  	(tag) =	ssettag $0x0;
	lr =	simm.s32 $0x1  }
0x2: {  	[smem:$0x3F90] =	sst lr;
	_ =	strace $0xD0000000  }
0x3: {  	_ = 	snop  }
0x4: {  	_ = 	snop  }
0x5: {  	_ = 	snop  }
0x6: {  	_ = 	snop  }
0x7: {  	_ = 	snop  }
__scs_overlays_trampoline_lowered:
0x8: {  	[smem:$0x3F9F] =	sst s0  }
0x9: {  	[smem:$0x3FA0] =	sst s1  }
0xa: {  	[smem:$0x3FA1] =	sst s2  }
0xb: {  	[smem:$0x3FA2] =	sst s3  }
0xc: {  	[smem:$0x3FA3] =	sst s4  }
0xd: {  	[smem:$0x3FA4] =	sst s5  }
0xe: {  	[smem:$0x3FA5] =	sst s6  }
0xf: {  	[smem:$0x3FA6] =	sst s7  }
0x10: {  	[smem:$0x3FA7] =	sst s8  }
0x11: {  	[smem:$0x3FA8] =	sst s9;
	s0 =	simm.s32 @!p0 $0x0  }
0x12: {  	s1 =	sld [smem:$0x3F8E];
	s0 =	simm.s32 @p0 $0x1  }
0x13: {  	[smem:$0x3FA9] =	sst s0;
	s0 =	simm.s32 @!p1 $0x0  }
0x14: {  	s2 =	sld [smem:$0x3F8D];
	s0 =	simm.s32 @p1 $0x1  }
0x15: {  	[smem:$0x3FAA] =	sst s0;
	s0 =	simm.s32 @!p2 $0x0  }
0x16: {  	s3 =	sld [smem:$0x3FDB];
	s0 =	simm.s32 @p2 $0x1  }
0x17: {  	s4 =	simm.s32 $0x1BF5;
	[smem:$0x3FAC] =	sst s0  }
0x18: {  	s0 =	sld [smem:$0x3F8F];
	_ =	swait.ge [sflag:s4], $0x0  }
0x19: {  	s7 =	sld [smem:$0x3F90]  }
0x1a: {  	s8 =	sadd.s32 $0xFFFFE003, lr  }
0x1b: {  	s9 =	sadd.s32 $0xFFFFFEF7, lr;
	s5 =	simm.s32 $0xFFFFFFFF;
	p2 =	slt.u32 s8, $0xFFFFF086  }
0x1c: {  	p1 =	slt.u32 s9, $0xF7A;
	s5 =	simm.s32 @!p2 $0x0  }
0x1d: {  	s5 =	simm.s32 @p1 $0x1;
	p0 =	seq.s32 s7, s2  }
0x1e: {  	s7 =	smul.u32 @!p0 $0xF7A, s2;
	p2 =	seq.s32 @!p0 s5, $0x0  }
0x1f: {  	s9 =	smul.u32 $0xF7A, s1;
	s8 =	simm.s32 @!p0 $0x1BF5;
	p2 =	por !p2, p0  }
0x20: {  	[sflag:s8] =	ssyncset.s32 @!p0 $0xFFFFF086;
	s6 =	sadd.s32 @!p0 s3, s7;
	s7 =	simm.s32 @!p0 $0x108  }
0x21: {  	s3 =	sadd.s32 s3, s9;
	s6 =	sadd.s32 @!p0 $0x88, s6;
	s7 =	simm.s32 @p2 $0x1082  }
0x22: {  	[simem:s7], [sflag:s8] =	dma.local @!p0 [hbm:s6], $0xF7A  }
0x23: {  	s9 =	sor.u32 $0xD0000000, s2;
	s6 =	simm.s32 $0x108;
	_ =	swait.ge @!p0 [sflag:s8], $0x0  }
0x24: {  	s3 =	sadd.s32 $0x88, s3;
	s6 =	simm.s32 @!p1 $0x1082;
	[sflag:s4] =	ssyncset.s32 $0xFFFFF086  }
0x25: {  	[simem:s6], [sflag:s4] =	dma.local [hbm:s3], $0xF7A  }
0x26: {  	[smem:$0x3F90] =	sst s1;
	(tag) =	ssettag s2;
	_ =	strace s9  }
0x27: {  	s1 =	sld [smem:$0x3FA0]  }
0x28: {  	s2 =	sld [smem:$0x3FA1]  }
0x29: {  	s4 =	sld [smem:$0x3FA3]  }
0x2a: {  	p0 =	seq.s32 s5, $0x0;
	s5 =	sld [smem:$0x3FA4]  }
0x2b: {  	s6 =	sld [smem:$0x3FA5]  }
0x2c: {  	s7 =	sld [smem:$0x3FA6]  }
0x2d: {  	s3 =	simm.s32 $0x108;
	s8 =	sld [smem:$0x3FA7]  }
0x2e: {  	s3 =	simm.s32 @!p0 $0x1082;
	s9 =	sld [smem:$0x3FA8]  }
0x2f: {  	lr =	sadd.s32 s0, s3;
	s0 =	sld [smem:$0x3F9F]  }
0x30: {  	s3 =	sld [smem:$0x3FA2]  }
0x31: {  	[smem:$0x3FAB] =	sst s10  }
0x32: {  	s10 =	sld [smem:$0x3FA9];
	_ =	sdelay $0x3  }
0x33: {  	p0 =	seq.s32 s10, $0x1;
	s10 =	sld [smem:$0x3FAB];
	_ =	sdelay $0x3  }
0x34: {  	[smem:$0x3FAB] =	sst s10  }
0x35: {  	s10 =	sld [smem:$0x3FAA];
	_ =	sdelay $0x3  }
0x36: {  	p1 =	seq.s32 s10, $0x1;
	s10 =	sld [smem:$0x3FAB];
	_ =	sdelay $0x3  }
0x37: {  	[smem:$0x3FAB] =	sst s10  }
0x38: {  	s10 =	sld [smem:$0x3FAC]  }
0x39: {  	_ = 	snop;
	(pc) =	sbr.ind lr, $3  }
0x3a: {  	_ = 	snop  }
0x3b: {  	_ = 	snop  }
0x3c: {  	p2 =	seq.s32 s10, $0x1;
	s10 =	sld [smem:$0x3FAB]  }
0x3d: {  	_ =	shalt  }
0x3e: {  	_ =	shalt  }
0x3f: {  	_ =	shalt  }
0x40: {  	_ =	shalt  }
0x41: {  	_ =	shalt  }
0x42: {  	_ =	shalt  }
0x43: {  	_ =	shalt  }
0x44: {  	_ =	shalt  }
0x45: {  	_ =	shalt  }
0x46: {  	_ =	shalt  }
0x47: {  	_ =	shalt  }
0x48: {  	_ =	shalt  }
0x49: {  	_ =	shalt  }
0x4a: {  	_ =	shalt  }
0x4b: {  	_ =	shalt  }
0x4c: {  	_ =	shalt  }
0x4d: {  	_ =	shalt  }
0x4e: {  	_ =	shalt  }
0x4f: {  	_ =	shalt  }
0x50: {  	_ =	shalt  }
0x51: {  	_ =	shalt  }
0x52: {  	_ =	shalt  }
0x53: {  	_ =	shalt  }
0x54: {  	_ =	shalt  }
0x55: {  	_ =	shalt  }
0x56: {  	_ =	shalt  }
0x57: {  	_ =	shalt  }
0x58: {  	_ =	shalt  }
0x59: {  	_ =	shalt  }
0x5a: {  	_ =	shalt  }
0x5b: {  	_ =	shalt  }
0x5c: {  	_ =	shalt  }
0x5d: {  	_ =	shalt  }
0x5e: {  	_ =	shalt  }
0x5f: {  	_ =	shalt  }
0x60: {  	_ =	shalt  }
0x61: {  	_ =	shalt  }
0x62: {  	_ =	shalt  }
0x63: {  	_ =	shalt  }
0x64: {  	_ =	shalt  }
0x65: {  	_ =	shalt  }
0x66: {  	_ =	shalt  }
0x67: {  	_ =	shalt  }
0x68: {  	_ =	shalt  }
0x69: {  	_ =	shalt  }
0x6a: {  	_ =	shalt  }
0x6b: {  	_ =	shalt  }
0x6c: {  	_ =	shalt  }
0x6d: {  	_ =	shalt  }
0x6e: {  	_ =	shalt  }
0x6f: {  	_ =	shalt  }
0x70: {  	_ =	shalt  }
0x71: {  	_ =	shalt  }
0x72: {  	_ =	shalt  }
0x73: {  	_ =	shalt  }
0x74: {  	_ =	shalt  }
0x75: {  	_ =	shalt  }
0x76: {  	_ =	shalt  }
0x77: {  	_ =	shalt  }
0x78: {  	_ =	shalt  }
0x79: {  	_ =	shalt  }
0x7a: {  	_ =	shalt  }
0x7b: {  	_ =	shalt  }
0x7c: {  	_ =	shalt  }
0x7d: {  	_ =	shalt  }
0x7e: {  	_ =	shalt  }
0x7f: {  	_ =	shalt  }
0x80: {  	_ =	shalt  }
0x81: {  	_ =	shalt  }
0x82: {  	_ =	shalt  }
0x83: {  	_ =	shalt  }
0x84: {  	_ =	shalt  }
0x85: {  	_ =	shalt  }
0x86: {  	_ =	shalt  }
0x87: {  	_ =	shalt  }
.Lfunc_end0:
.L_simem_size_0:
called_computation.4_lowered:
.L_overlay_start_0:
0x88: {  	s2 =	sld [smem:$0x3FD9]  }
0x89: {  	s3 =	sld [smem:$0x3FFE];
	_ =	sdelay $0x1  }
0x8a: {  	s1 =	srdreg.scid  }
0x8b: {  	s0 =	sand.u32 $0x1, s1  }
0x8c: {  	s17 =	sshll.u32 s0, $0xA;
	s2 =	sadd.s32 s3, s2  }
0x8d: {  	s2 =	sadd.s32 s2, s17  }
0x8e: {  	[smem:$0x3FB7] =	sst s2  }
0x8f: {  	_ = 	snop  }
0x90: {  	s2 =	sld [smem:$0x3FC6]  }
0x91: {  	s18 =	sld [smem:$0x3FD0];
	(tm) =	ssettm $0x1  }
0x92: {  	s4 =	sld [smem:$0x3FFB];
	_ =	sdelay $0x3  }
0x93: {  	_ =	strace s4  }
0x94: {  	s4 =	sld [smem:$0x3FFC];
	_ =	sdelay $0x3  }
0x95: {  	_ =	strace s4  }
0x96: {  	s4 =	sld [smem:$0x3FFD];
	_ =	sdelay $0x3  }
0x97: {  	_ =	strace s4  }
0x98: {  	_ =	strace $0x8FFFFFFF  }
0x99: {  	s19 =	sld [smem:$0x3FDB];
	_ =	sdelay $0x1  }
0x9a: {  	s5 =	simm.s32 $_scs_section_size  }
0x9b: {  	s6 =	simm.s32 $_size__tile_overlayer_lowered;
	s7 =	simm.s32 $_tile_overlayer_lowered  }
0x9c: {  	s22 =	simm.s32 $0x1BFF;
	s21 =	sshll.u32 s7, $0x1;
	s4 =	sadd.s32 s5, s19  }
0x9d: {  	s8 =	simm.s32 $0x0;
	s20 =	sshll.u32 s6, $0x1;
	s6 =	sadd.s32 s21, s4  }
0x9e: {  	[timem:s8], [sflag:s22] =	dma.local [hbm:s6], s20  }
0x9f: {  	_ =	swait.ge [sflag:s22], s20  }
0xa0: {  	s5 =	ssub.s32 $0x0, s20;
	[sflag:s22] =	ssyncset.done $0x0  }
0xa1: {  	[sflag:s22] =	ssyncadd.s32 s5;
	_ =	sdelay $0x1  }
0xa2: {  	s23 =	simm.s32 $0x1B8B  }
0xa3: {  	_ =	swait.ge [sflag:s23], $0x1  }
0xa4: {  	[sflag:s23] =	ssyncset.done $0x0  }
0xa5: {  	s25 =	simm.s32 $0x1B8E;
	s24 =	sld [smem:$0x3FFE];
	[sflag:s23] =	ssyncadd.s32 $0xFFFFFFFF  }
0xa6: {  	s26 =	simm.s32 $execute0_lowered;
	[smem:$0x3FD2] =	sst s25  }
0xa7: {  	s6 =	sshll.u32 s26, $0x1;
	_ =	strace $0x80000052;
	[dreg:$0x1] =	wrdreg $0xFFFFFFFF  }
0xa8: {  	s28 =	simm.s32 $_size_execute0_lowered;
	s4 =	sadd.s32 s4, s6;
	[dreg:$0x0] =	wrdreg $0x0  }
0xa9: {  	s6 =	sshll.u32 s28, $0x1;
	[dreg:$0x2] =	wrdreg s4  }
0xaa: {  	[dreg:$0x3] =	wrdreg s6  }
0xab: {  	[dreg:$0x4] =	wrdreg $0xC0  }
0xac: {  	_ =	task [dreg:s8], $0x5FFFF  }
0xad: {  	[dreg:$0x1] =	wrdreg $0xFFFFFFFF  }
0xae: {  	[dreg:$0x0] =	wrdreg $0x60  }
0xaf: {  	[dreg:$0x2] =	wrdreg s24  }
0xb0: {  	[dreg:$0x3] =	wrdreg s2  }
0xb1: {  	[dreg:$0x4] =	wrdreg s18  }
0xb2: {  	[dreg:$0x5] =	wrdreg $0x9  }
0xb3: {  	_ =	task.clear_ibuf [dreg:s8], $0x6FFFF;
	_ =	strace $0x90000052  }
0xb4: {  	s29 =	simm.s32 $0x9;
	_ =	strace $0x80000054  }
0xb5: {  	_ =	swait.ge [sflag:s29], $0x1  }
0xb6: {  	[sflag:s29] =	ssyncadd.s32 $0xFFFFFFFF  }
0xb7: {  	_ =	strace $0x90000054  }
0xb8: {  	_ =	sfence  }
0xb9: {  	s30 =	sld [smem:$0x0];
	_ =	sdelay $0x2  }
0xba: {  	s31 =	sshll.u32 s1, $0xD;
	s1 =	sshrl.u32 s1, $0x2  }
0xbb: {  	s3 =	sand.u32 $0x4000, s31;
	s1 =	sadd.s32 s1, s30  }
0xbc: {  	s0 =	sor.u32 s3, s0;
	s1 =	sshll.u32 s1, $0x11  }
0xbd: {  	s0 =	sor.u32 s1, s0  }
0xbe: {  	s0 =	sadd.s32 $0x8F2B, s0  }
0xbf: {  	[sflag:s0] =	ssyncadd.remote.s32 $0x1  }
0xc0: {  	_ =	sfence.sel $0xFFFF  }
0xc1: {  	[dreg:$0x0] =	wrdreg $0xFFFFFFFF;
	(pc) =	sbr.abs _section_cstart, $3  }
0xc2: {  	[dreg:$0x1] =	wrdreg $0xFFFFFFFF  }
0xc3: {  	_ =	task.clear_ibuf [dreg:s8], $0x2FFFF;
	_ =	strace $0x9FFFFFFF  }
0xc4: {  	(tm) =	ssettm $0x7FFFFFFF  }
0xc5: {  	_ =	shalt  }
tec
execute0_lowered:
.L_overlay_start_1:
0x0: {  	(tag) =	ssettag $0x1  }
0x1: {  	s4 =	rddreg [dreg:$0x0]  }
0x2: {  	s5 =	rddreg [dreg:$0x1]  }
0x3: {  	s7 =	rddreg [dreg:$0x2]  }
0x4: {  	s0 =	rddreg [dreg:$0x3]  }
0x5: {  	s3 =	srdreg.scid;
	s2 =	simm.s32 $0x0;
	s1 =	stileid.u32  }
0x6: {  	s11 =	simm.s32 $0x3;
	s12 =	simm.s32 $0x200;
	s13 =	simm.s32 $0x400  }
0x7: {  	s14 =	simm.s32 $0x600;
	s15 =	simm.s32 $0x1;
	s16 =	simm.s32 $0x2  }
0x8: {  	s17 =	simm.s32 $0x800;
	s18 =	simm.s32 $0x0;
	s6 =	sand.u32 $0x1, s3  }
0x9: {  	[smem:$0x7FF] =	sst s2;
	s30 =	sshll.u32 s1, $0xA;
	s3 =	sadd.s32 $0x3C00, s4  }
0xa: {  	s4 =	sadd.s32 $0x3A00, s4;
	s8 =	sshll.u32 s6, $0x9;
	s6 =	ssub.s32 $0x2, s6  }
0xb: {  	_ =	strace $0x80000053;
	s8 =	sor.u32 s8, s30;
	s10 =	sshrl.u32 s6, $0x1  }
0xc: {  	s9 =	sshrl.u32 s8, $0x2;
	s31 =	ssub.s32 s6, s10;
	s8 =	sshrl.u32 s8, $0x3  }
0xd: {  	s10 =	simm.s32 $0x100;
	s5 =	sadd.s32 s5, s9;
	s7 =	sadd.s32 s7, s8  }
0xe: {  	s8 =	smax.u32 s31, $0x1;
	s9 =	simm.s32 $0x80;
	s6 =	sadd.s32 $0x10, s5  }
.LBB2_1:
0xf: {  	[tilespmem:s2], [sflag:$0x3] =	stream.strided.gather [hbm4b:s5+s9], $0x200, s10, s9, $0x38;
	[tilespmem:$0xA00] =	vst v63  }
0x10: {  	_ =	swait.ge [sflag:s11], $0x200  }
0x11: {  	[sflag:s11] =	ssyncset.done $0x0  }
0x12: {  	[sflag:s11] =	ssyncadd.s32 $0xFFFFFE00  }
0x13: {  	[tilespmem:s12], [sflag:$0x3] =	stream.strided.gather [hbm4b:s6+s9], $0x200, s10, s9, $0x38;
	[tilespmem:$0xA00] =	vst v63  }
0x14: {  	_ =	swait.ge [sflag:s11], $0x200  }
0x15: {  	[sflag:s11] =	ssyncset.done $0x0  }
0x16: {  	[sflag:s11] =	ssyncadd.s32 $0xFFFFFE00  }
0x17: {  	[tilespmem:s13], [sflag:$0x1] =	stream.indirect.gather [hbm4b:s3+s12], $0x1, s2, s12, $0xb8;
	[tilespmem:$0xA00] =	vst v63  }
0x18: {  	_ = 	snop  }
0x19: {  	[tilespmem:s14], [sflag:$0x2] =	stream.indirect.gather [hbm4b:s4+s12], $0x1, s12, s12, $0xb8;
	[tilespmem:$0xA00] =	vst v63  }
0x1a: {  	_ =	swait.ge [sflag:s15], $0x200  }
0x1b: {  	[sflag:s15] =	ssyncset.done $0x0  }
0x1c: {  	[sflag:s15] =	ssyncadd.s32 $0xFFFFFE00  }
0x1d: {  	_ =	swait.ge [sflag:s16], $0x200  }
0x1e: {  	[sflag:s16] =	ssyncset.done $0x0  }
0x1f: {  	s19 =	simm.s32 $0x0;
	[sflag:s16] =	ssyncadd.s32 $0xFFFFFE00  }
0x20: {  	v0 =	vld [tilespmem:s19+$0x400]  }
0x21: {  	v1 =	vld [tilespmem:s19+$0x600];
	_ =	sdelay $0x4  }
0x22: {  	s20 =	simm.s32 $0x10;
	v0 =	vadd.f32 v1, v0  }
0x23: {  	v2 =	vld [tilespmem:s20+$0x600]  }
0x24: {  	v1 =	vld [tilespmem:s20+$0x400];
	v0 =	vsub.f32 $0.0e+00, v0;
	_ =	sdelay $0x1  }
0x25: {  	s21 =	simm.s32 $0x20;
	v0 =	vmul.f32 $1.442695020e+00, v0  }
0x26: {  	v3 =	vld [tilespmem:s21+$0x400]  }
0x27: {  	(erf) = vpow2.f32 v0;
	v0 =	vld [tilespmem:s21+$0x600]  }
0x28: {  	v1 =	vadd.f32 v2, v1;
	_ =	sdelay $0x1  }
0x29: {  	v1 =	vsub.f32 $0.0e+00, v1;
	_ =	sdelay $0x1  }
0x2a: {  	s22 =	simm.s32 $0x30;
	v1 =	vmul.f32 $1.442695020e+00, v1;
	v0 =	vadd.f32 v0, v3  }
0x2b: {  	v2 =	vld [tilespmem:s22+$0x400]  }
0x2c: {  	(erf) = vpow2.f32 v1;
	v1 =	vld [tilespmem:s22+$0x600];
	v0 =	vsub.f32 $0.0e+00, v0;
	_ =	sdelay $0x1  }
0x2d: {  	v3 =	vpop (erf);
	v0 =	vmul.f32 $1.442695020e+00, v0  }
0x2e: {  	s23 =	simm.s32 $0x40;
	v3 =	vadd.f32 $1.000000000e+00, v3  }
0x2f: {  	v4 =	vld [tilespmem:s23+$0x400];
	(erf) = vpow2.f32 v0  }
0x30: {  	v1 =	vadd.f32 v1, v2;
	v0 =	vld [tilespmem:s23+$0x600];
	(erf) = vrcp.f32 v3;
	_ =	sdelay $0x1  }
0x31: {  	v1 =	vsub.f32 $0.0e+00, v1;
	_ =	sdelay $0x1  }
0x32: {  	v2 =	vpop (erf);
	v1 =	vmul.f32 $1.442695020e+00, v1  }
0x33: {  	s24 =	simm.s32 $0x50;
	v2 =	vadd.f32 $1.000000000e+00, v2;
	v0 =	vadd.f32 v0, v4  }
0x34: {  	(erf) = vpow2.f32 v1;
	v1 =	vld [tilespmem:s24+$0x600]  }
0x35: {  	(erf) = vrcp.f32 v2;
	v3 =	vsub.f32 $0.0e+00, v0;
	v0 =	vld [tilespmem:s24+$0x400]  }
0x36: {  	v4 =	vpop (erf)  }
0x37: {  	s25 =	simm.s32 $0x180;
	v3 =	vmul.f32 $1.442695020e+00, v3;
	v2 =	vpop (erf)  }
.LBB2_2:
0x38: {  	s26 =	sshra.s32 s25, $0x2  }
0x39: {  	v4 =	vadd.f32 $1.000000000e+00, v4;
	[tilespmem:s19+$0x800] =	vst v2;
	s19 =	smov.u32 s20;
	s20 =	smov.u32 s21;
	p0 =	sne.s32 s25, $0x7C0  }
.Ltmp0:
0x3a: {  	s21 =	smov.u32 s22;
	s22 =	smov.u32 s23;
	v2 =	vadd.f32 v1, v0;
	v0 =	vld [tilespmem:s26+$0x400];
	(erf) = vpow2.f32 v3;
	(pc) =	sbr.rel @p0 .LBB2_2-.Ltmp0, $4  }
0x3b: {  	s25 =	sadd.s32 $0x40, s25;
	s23 =	smov.u32 s24;
	v1 =	vld [tilespmem:s26+$0x600];
	(erf) = vrcp.f32 v4  }
0x3c: {  	s24 =	smov.u32 s26;
	v5 =	vsub.f32 $0.0e+00, v2  }
0x3d: {  	v4 =	vpop (erf)  }
0x3e: {  	v3 =	vmul.f32 $1.442695020e+00, v5;
	v2 =	vpop (erf)  }
0x3f: {  	_ = 	snop  }
0x40: {  	v0 =	vadd.f32 v1, v0;
	_ =	sdelay $0x1  }
0x41: {  	v0 =	vsub.f32 $0.0e+00, v0  }
0x42: {  	v56 =	vadd.f32 $1.000000000e+00, v4  }
0x43: {  	(erf) = vpow2.f32 v3;
	v0 =	vmul.f32 $1.442695020e+00, v0  }
0x44: {  	(erf) = vrcp.f32 v56  }
0x45: {  	(erf) = vpow2.f32 v0;
	_ =	sdelay $0x4  }
0x46: {  	v57 =	vpop (erf)  }
0x47: {  	v58 =	vpop (erf)  }
0x48: {  	v3 =	vpop (erf)  }
0x49: {  	v0 =	vadd.f32 $1.000000000e+00, v57;
	v59 =	vpop (erf)  }
0x4a: {  	v3 =	vadd.f32 $1.000000000e+00, v3;
	v5 =	vpop (erf)  }
0x4b: {  	(erf) = vrcp.f32 v0;
	v60 =	vadd.f32 $1.000000000e+00, v5  }
0x4c: {  	(erf) = vrcp.f32 v3  }
0x4d: {  	(erf) = vrcp.f32 v60;
	_ =	sdelay $0x4  }
0x4e: {  	[tilespmem:s19+$0x800] =	vst v2  }
0x4f: {  	[tilespmem:s20+$0x800] =	vst v58  }
0x50: {  	[tilespmem:s21+$0x800] =	vst v59;
	v61 =	vpop (erf)  }
0x51: {  	s18 =	sadd.s32 $0x1, s18;
	[tilespmem:s22+$0x800] =	vst v61;
	v62 =	vpop (erf)  }
0x52: {  	p0 =	sne.s32 s18, s8;
	[tilespmem:s23+$0x800] =	vst v62;
	v63 =	vpop (erf)  }
.Ltmp1:
0x53: {  	[tilespmem:s24+$0x800] =	vst v63;
	(pc) =	sbr.rel @p0 .LBB2_1-.Ltmp1, $4  }
0x54: {  	[hbm4b:s7+s2] =	stream.linear.scatter [tilespmem:s17], [sflag:$0x3], $0x200, $0x38;
	[tilespmem:$0xA00] =	vst v63  }
0x55: {  	_ =	swait.ge [sflag:s11], $0x200  }
0x56: {  	[sflag:s11] =	ssyncset.done $0x0  }
0x57: {  	[sflag:s11] =	ssyncadd.s32 $0xFFFFFE00  }
0x58: {  	_ =	sfence.sel $0x180000  }
0x59: {  	[bflag:$0x0] =	sbarrier.arrive $0xFFFF  }
0x5a: {  	p0 =	sne.s32 s1, $0x0;
	_ =	strace $0x90000053  }
0x5b: {  	s0 =	sadd.s32 @!p0 $0x100000, s0;
	[bflag:$0x2] =	sbarrier.arrive $0xFFFF  }
0x5c: {  	[sflag:s0] =	ssyncadd.tile.s32 @!p0 $0x1;
	_ =	shalt  }
.Lfunc_end2:
_tile_overlayer_lowered:
.L_overlay_start_2:
0x5d: {  	(tag) =	ssettag $0x2  }
0x5e: {  	s0 =	rddreg [dreg:$0x0];
	s2 =	stileid.u32  }
0x5f: {  	s1 =	rddreg [dreg:$0x1];
	p0 =	sne.s32 s2, $0x0  }
0x60: {  	s3 =	rddreg [dreg:$0x2];
	[bflag:$0x3] =	sbarrier.arrive $0xFFFF;
	s2 =	simm.s32 @!p0 $0x1C03  }
0x61: {  	[timem:s3], [sflag:s2] =	dma.local @!p0 [hbm:s0], s1  }
0x62: {  	s0 =	simm.s32 @!p0 $0x3  }
0x63: {  	_ =	swait.ge @!p0 [sflag:s0], s1  }
0x64: {  	s1 =	ssub.s32 @!p0 $0x0, s1;
	[sflag:s0] =	ssyncset.done @!p0 $0x0  }
0x65: {  	[sflag:s0] =	ssyncadd.s32 @!p0 s1  }
0x66: {  	[bflag:$0x3] =	sbarrier.arrive $0xFFFF  }
0x67: {  	_ =	shalt  }

</sc_bundles>
